<compile_context>
chip_gen: v7x
topology: tpu7x:2x2x1
jax: 0.10.2.dev20260603
libtpu: 0.0.44.dev20260713+nightly
codegen_flags: <defaults>
</compile_context>

<pallas_src>
import functools

import jax
import jax.numpy as jnp
from jax import lax
from jax.experimental import pallas as pl
from jax.experimental.pallas import tpu as pltpu
from jax.experimental.pallas import tpu_sc as plsc

B = 1024
F = 128
N = 100000
BN = 2048
NBM = 98304 // BN
NT = N - NBM * BN

IBIG = 2**31 - 1


CH = 32


def _lex_lt(av, ai, bv, bi):
    return (av < bv) | ((av == bv) & (ai < bi))


def _merge_top2(r1v, r1i, r2v, r2i, c1v, c1i, c2v, c2i):
    take_r = _lex_lt(r1v, r1i, c1v, c1i)
    n1v = jnp.where(take_r, r1v, c1v)
    n1i = jnp.where(take_r, r1i, c1i)
    lv = jnp.where(take_r, c1v, r1v)
    li = jnp.where(take_r, c1i, r1i)
    wv = jnp.where(take_r, r2v, c2v)
    wi = jnp.where(take_r, r2i, c2i)
    t2 = _lex_lt(lv, li, wv, wi)
    return n1v, n1i, jnp.where(t2, lv, wv), jnp.where(t2, li, wi)


def _sims_block(supp_ref, key_ref):
    return lax.dot_general(
        supp_ref[...], key_ref[...],
        dimension_numbers=(((0,), (1,)), ((), ())),
        preferred_element_type=jnp.float32)


def _scan_rows(sims_scr, buf, nchunks, rbase, riota, carry):

    def chunk(c, carry):
        v1, i1, v2, i2 = carry
        xs = sims_scr[buf, pl.ds(c * CH, CH), :]
        for u in range(CH // 8):
            x = lax.slice_in_dim(xs, u * 8, (u + 1) * 8)
            r = riota + (rbase + c * CH + u * 8)
            lt1 = x < v1
            c2 = x < v2
            v2n = jnp.where(c2, x, v2)
            i2n = jnp.where(c2, r, i2)
            v2 = jnp.where(lt1, v1, v2n)
            i2 = jnp.where(lt1, i1, i2n)
            v1 = jnp.where(lt1, x, v1)
            i1 = jnp.where(lt1, r, i1)
        return (v1, i1, v2, i2)

    return lax.fori_loop(0, nchunks, chunk, carry)


def _main_body(supp_ref, key_ref, out_ref, v1s, i1s, v2s, i2s, sims_scr):
    j = pl.program_id(0)

    @pl.when(j == 0)
    def _init():
        sims_scr[1] = jnp.full((BN, B), jnp.inf, jnp.float32)
        v1s[...] = jnp.full((8, B), jnp.inf, jnp.float32)
        i1s[...] = jnp.full((8, B), IBIG, jnp.int32)
        v2s[...] = jnp.full((8, B), jnp.inf, jnp.float32)
        i2s[...] = jnp.full((8, B), IBIG, jnp.int32)

    riota = lax.broadcasted_iota(jnp.int32, (8, B), 0)
    nchunks = jnp.where(j == NBM + 1, NT // CH, BN // CH)
    carry = (v1s[...], i1s[...], v2s[...], i2s[...])
    v1, i1, v2, i2 = _scan_rows(
        sims_scr, (j + 1) % 2, nchunks, (j - 1) * BN, riota, carry)
    v1s[...] = v1
    i1s[...] = i1
    v2s[...] = v2
    i2s[...] = i2

    sims_scr[j % 2] = _sims_block(supp_ref, key_ref)

    @pl.when(j == NBM + 1)
    def _finalize():
        a, b, c, d = v1, i1, v2, i2
        for h in (4, 2, 1):
            a, b, c, d = _merge_top2(
                a[:h], b[:h], c[:h], d[:h],
                a[h:2 * h], b[h:2 * h], c[h:2 * h], d[h:2 * h])
        out_ref[...] = d


def _neighbor_idx(key, support):
    return pl.pallas_call(
        _main_body,
        grid=(NBM + 2,),
        in_specs=[
            pl.BlockSpec((F, BN), lambda j: (0, jnp.minimum(j, NBM))),
            pl.BlockSpec((B, F), lambda j: (0, 0)),
        ],
        out_specs=pl.BlockSpec((1, B), lambda j: (0, 0)),
        out_shape=jax.ShapeDtypeStruct((1, B), jnp.int32),
        scratch_shapes=[
            pltpu.VMEM((8, B), jnp.float32),
            pltpu.VMEM((8, B), jnp.int32),
            pltpu.VMEM((8, B), jnp.float32),
            pltpu.VMEM((8, B), jnp.int32),
            pltpu.VMEM((2, BN, B), jnp.float32),
        ],
    )(support, key)


_NC, _NS, _L = 2, 16, 16
_NW = _NC * _NS
_BPW = B // _NW


def _sc_gather_dot(support_flat, idx, anchor_t):
    mesh = plsc.VectorSubcoreMesh(core_axis_name="c", subcore_axis_name="s")

    nchunk = F * _BPW // 128
    fpc = 128 // _BPW

    @functools.partial(
        pl.kernel,
        mesh=mesh,
        out_type=jax.ShapeDtypeStruct((B,), jnp.float32),
        scratch_types=[
            pltpu.VMEM((_BPW,), jnp.int32),
            pltpu.VMEM((nchunk, 128), jnp.int32),
            pltpu.VMEM((nchunk, 128), jnp.float32),
            pltpu.VMEM((F, _BPW), jnp.float32),
            pltpu.VMEM((_BPW,), jnp.float32),
            pltpu.SemaphoreType.DMA,
        ],
    )
    def k(supp_hbm, idx_hbm, anc_hbm, out_hbm, idx_v, fidx_v, gath_v, anc_v,
          out_v, sem):
        wid = lax.axis_index("s") * _NC + lax.axis_index("c")
        base = wid * _BPW
        pltpu.sync_copy(idx_hbm.at[pl.ds(base, _BPW)], idx_v)
        pltpu.sync_copy(anc_hbm.at[wid], anc_v)
        ia = idx_v[pl.ds(0, _L)]
        ib = idx_v[pl.ds(_L, _L)]

        def fill(c, _):
            for q in range(fpc):
                off = (fpc * c + q) * N
                fidx_v[c, pl.ds(q * _BPW, _L)] = ia + off
                fidx_v[c, pl.ds(q * _BPW + _L, _L)] = ib + off
            return 0

        lax.fori_loop(0, nchunk, fill, 0)

        def fire(c, _):
            pltpu.async_copy(supp_hbm.at[fidx_v.at[c]], gath_v.at[c], sem)
            return 0

        lax.fori_loop(0, nchunk, fire, 0)

        def drain(c, _):
            pltpu.make_async_copy(
                supp_hbm.at[fidx_v.at[c]], gath_v.at[c], sem).wait()
            return 0

        lax.fori_loop(0, nchunk, drain, 0)

        def acc(c, carry):
            a0, a1 = carry
            for q in range(fpc):
                f = fpc * c + q
                a0 = a0 + anc_v[f, pl.ds(0, _L)] * gath_v[c, pl.ds(q * _BPW, _L)]
                a1 = a1 + anc_v[f, pl.ds(_L, _L)] * gath_v[c, pl.ds(q * _BPW + _L, _L)]
            return (a0, a1)

        zero = jnp.zeros((_L,), jnp.float32)
        a0, a1 = lax.fori_loop(0, nchunk, acc, (zero, zero))
        out_v[pl.ds(0, _L)] = a0
        out_v[pl.ds(_L, _L)] = a1
        pltpu.sync_copy(out_v, out_hbm.at[pl.ds(base, _BPW)])

    return k(support_flat, idx, anchor_t)


def kernel(anchor, key, support):
    idx = _neighbor_idx(key, support).reshape(B)
    support_flat = support.reshape(F * N)
    anchor_t = anchor.T.reshape(F, _NW, _BPW).transpose(1, 0, 2)
    out = _sc_gather_dot(support_flat, idx, anchor_t)
    return out.reshape(B, 1)

# --- scband reference (transcript-rebuilt; emitter-appended) ---
"""Pipeline reference for scband-nnclrloss-46136538694130 (READ-ONLY COPY).

The authoritative reference and input builder live on the scoring server;
editing this copy changes nothing except your own understanding.
"""

import jax, jax.numpy as jnp
import numpy as np

NUM_NEIGHBORS = 1

def setup_inputs(seed: int = 0) -> dict:
    key = jax.random.key(seed)
    k1, k2, k3 = jax.random.split(key, 3)
    anchor = jax.random.normal(k1, (1024, 128), dtype=jnp.float32)
    key_t = jax.random.normal(k2, (1024, 128), dtype=jnp.float32)
    support = jax.random.normal(k3, (128, 100000), dtype=jnp.float32)
    return {"anchor": anchor, "key": key_t, "support": support}

def reference(anchor, key, support):
    # similarities between keys and support bank
    similarities = jnp.einsum('bf,fn->bn', key, support)
    # faithful translation: argsort along dim=1, take column index num_neighbors
    sorting_idx = jnp.argsort(similarities, axis=1)
    topk_idx = sorting_idx[:, NUM_NEIGHBORS].reshape(-1, NUM_NEIGHBORS)
    # logits between anchors and support bank
    logits = jnp.einsum('bf,fn->bn', anchor, support)
    # gather positive logits at neighbor indices (torch.gather dim=1)
    logits_pos = jnp.take_along_axis(logits, topk_idx, axis=1)
    return logits_pos

if __name__ == "__main__":
    import jax
    _d = setup_inputs()
    print(jax.jit(kernel)(*tuple(_d.values())))

</pallas_src>

<mosaic_0001>
#map = affine_map<(d0, d1) -> (0)>
#map1 = affine_map<(d0, d1) -> (0, 0, 0)>
module attributes {stable_mosaic.version = 14 : i64} {
  func.func @k(%arg0: i32, %arg1: i32, %arg2: memref<12800000xf32, #tpu.memory_space<hbm>>, %arg3: memref<1024xi32, #tpu.memory_space<hbm>>, %arg4: memref<32x128x32xf32, #tpu.memory_space<hbm>>, %arg5: memref<1024xf32, #tpu.memory_space<hbm>>, %arg6: memref<32xi32, #tpu.memory_space<vmem>>, %arg7: memref<32x128xi32, #tpu.memory_space<vmem>>, %arg8: memref<32x128xf32, #tpu.memory_space<vmem>>, %arg9: memref<128x32xf32, #tpu.memory_space<vmem>>, %arg10: memref<32xf32, #tpu.memory_space<vmem>>, %arg11: memref<!tpu.dma_semaphore, #tpu.memory_space<semaphore_mem>>) attributes {dimension_semantics = [#tpu.dimension_semantics<core_parallel>, #tpu.dimension_semantics<subcore_parallel>], iteration_bounds = array<i64: 2, 16>, scalar_prefetch = 0 : i64, scratch_operands = 6 : i64, tpu.core_type = #tpu.core_type<sc_vector_subcore>, window_params = [{transform_indices = #map}, {transform_indices = #map}, {transform_indices = #map1}, {transform_indices = #map}]} {
    %mul3A = arith.constant 2 : i32
    %mul3A_0 = arith.muli %arg1, %mul3A : i32
    %add3A = arith.addi %mul3A_0, %arg0 : i32
    %mul3A_1 = arith.constant 32 : i32
    %mul3A_2 = arith.muli %add3A, %mul3A_1 : i32
    "tpu.region"() ({
      %run_scoped3A = tpu.sem_alloc : memref<!tpu.dma_semaphore, #tpu.memory_space<semaphore_mem>>
      %dma_start3A = tpu.memref_slice %arg3[%mul3A_2] : memref<1024xi32, #tpu.memory_space<hbm>> -> memref<32xi32, #tpu.memory_space<hbm>>
      %dma_start3A_42 = tpu.memref_slice %arg3[%mul3A_2] : memref<1024xi32, #tpu.memory_space<hbm>> -> memref<32xi32, #tpu.memory_space<hbm>>
      tpu.enqueue_dma source(%dma_start3A_42 : memref<32xi32, #tpu.memory_space<hbm>>) target(%arg6 : memref<32xi32, #tpu.memory_space<vmem>>) target_semaphore(%run_scoped3A : memref<!tpu.dma_semaphore, #tpu.memory_space<semaphore_mem>>)
      %dma_wait3A = tpu.memref_slice %arg3[%mul3A_2] : memref<1024xi32, #tpu.memory_space<hbm>> -> memref<32xi32, #tpu.memory_space<hbm>>
      %dma_wait3A_43 = tpu.memref_slice %arg3[%mul3A_2] : memref<1024xi32, #tpu.memory_space<hbm>> -> memref<32xi32, #tpu.memory_space<hbm>>
      tpu.wait_dma2 semaphore(%run_scoped3A : memref<!tpu.dma_semaphore, #tpu.memory_space<semaphore_mem>>) src(%dma_wait3A_43 : memref<32xi32, #tpu.memory_space<hbm>>) dst(%arg6 : memref<32xi32, #tpu.memory_space<vmem>>)
      tpu.yield
    }) : () -> ()
    "tpu.region"() ({
      %run_scoped3A = tpu.sem_alloc : memref<!tpu.dma_semaphore, #tpu.memory_space<semaphore_mem>>
      %dma_start3A = arith.constant 0 : i32
      %dma_start3A_42 = arith.constant 0 : i32
      %dma_start3A_43 = tpu.memref_slice %arg4[%add3A, %dma_start3A, %dma_start3A_42] : memref<32x128x32xf32, #tpu.memory_space<hbm>> -> memref<1x128x32xf32, #tpu.memory_space<hbm>>
      %dma_start3A_44 = tpu.memref_squeeze %dma_start3A_43 : memref<1x128x32xf32, #tpu.memory_space<hbm>> -> memref<128x32xf32, #tpu.memory_space<hbm>>
      %dma_start3A_45 = arith.constant 0 : i32
      %dma_start3A_46 = arith.constant 0 : i32
      %dma_start3A_47 = tpu.memref_slice %arg4[%add3A, %dma_start3A_45, %dma_start3A_46] : memref<32x128x32xf32, #tpu.memory_space<hbm>> -> memref<1x128x32xf32, #tpu.memory_space<hbm>>
      %dma_start3A_48 = tpu.memref_squeeze %dma_start3A_47 : memref<1x128x32xf32, #tpu.memory_space<hbm>> -> memref<128x32xf32, #tpu.memory_space<hbm>>
      tpu.enqueue_dma source(%dma_start3A_48 : memref<128x32xf32, #tpu.memory_space<hbm>>) target(%arg9 : memref<128x32xf32, #tpu.memory_space<vmem>>) target_semaphore(%run_scoped3A : memref<!tpu.dma_semaphore, #tpu.memory_space<semaphore_mem>>)
      %dma_wait3A = arith.constant 0 : i32
      %dma_wait3A_49 = arith.constant 0 : i32
      %dma_wait3A_50 = tpu.memref_slice %arg4[%add3A, %dma_wait3A, %dma_wait3A_49] : memref<32x128x32xf32, #tpu.memory_space<hbm>> -> memref<1x128x32xf32, #tpu.memory_space<hbm>>
      %dma_wait3A_51 = tpu.memref_squeeze %dma_wait3A_50 : memref<1x128x32xf32, #tpu.memory_space<hbm>> -> memref<128x32xf32, #tpu.memory_space<hbm>>
      %dma_wait3A_52 = arith.constant 0 : i32
      %dma_wait3A_53 = arith.constant 0 : i32
      %dma_wait3A_54 = tpu.memref_slice %arg4[%add3A, %dma_wait3A_52, %dma_wait3A_53] : memref<32x128x32xf32, #tpu.memory_space<hbm>> -> memref<1x128x32xf32, #tpu.memory_space<hbm>>
      %dma_wait3A_55 = tpu.memref_squeeze %dma_wait3A_54 : memref<1x128x32xf32, #tpu.memory_space<hbm>> -> memref<128x32xf32, #tpu.memory_space<hbm>>
      tpu.wait_dma2 semaphore(%run_scoped3A : memref<!tpu.dma_semaphore, #tpu.memory_space<semaphore_mem>>) src(%dma_wait3A_55 : memref<128x32xf32, #tpu.memory_space<hbm>>) dst(%arg9 : memref<128x32xf32, #tpu.memory_space<vmem>>)
      tpu.yield
    }) : () -> ()
    %get3A = arith.constant 0 : index
    %get3A_3 = tpu.vector_load %arg6[%get3A] {strides = array<i32>} : memref<32xi32, #tpu.memory_space<vmem>>, vector<16xi32>,
    %get3A_4 = vector.shape_cast %get3A_3 : vector<16xi32> to vector<16xi32>
    %get3A_5 = arith.constant 16 : index
    %get3A_6 = tpu.vector_load %arg6[%get3A_5] {strides = array<i32>} : memref<32xi32, #tpu.memory_space<vmem>>, vector<16xi32>,
    %get3A_7 = vector.shape_cast %get3A_6 : vector<16xi32> to vector<16xi32>
    %scan3A = arith.constant 0 : i32
    %scan3A_8 = arith.constant 0 : i32
    %scan3A_9 = arith.constant 32 : i32
    %scan3A_10 = arith.addi %scan3A_8, %scan3A_9 : i32
    %scan3A_11 = arith.constant 1 : i32
    %scan3A_12 = scf.for %scan3A_42 = %scan3A_8 to %scan3A_10 step %scan3A_11 iter_args(%scan3A_43 = %scan3A) -> (i32)  : i32 {
      %mul3A_44 = arith.constant 4 : i32
      %mul3A_45 = arith.muli %mul3A_44, %scan3A_42 : i32
      %add3A_46 = arith.constant 0 : i32
      %add3A_47 = arith.addi %mul3A_45, %add3A_46 : i32
      %mul3A_48 = arith.constant 100000 : i32
      %mul3A_49 = arith.muli %add3A_47, %mul3A_48 : i32
      %add3A_50 = vector.broadcast %mul3A_49 : i32 to vector<16xi32>
      %add3A_51 = arith.addi %get3A_4, %add3A_50 : vector<16xi32>
      %swap3A_52 = arith.index_cast %scan3A_42 : i32 to index
      %swap3A_53 = arith.constant 0 : index
      %swap3A_54 = tpu.vector_load %arg7[%swap3A_52, %swap3A_53] {strides = array<i32>} : memref<32x128xi32, #tpu.memory_space<vmem>>, vector<1x16xi32>,
      %swap3A_55 = vector.shape_cast %swap3A_54 : vector<1x16xi32> to vector<16xi32>
      %swap3A_56 = vector.shape_cast %add3A_51 : vector<16xi32> to vector<1x16xi32>
      tpu.vector_store %arg7[%swap3A_52, %swap3A_53], %swap3A_56 {strides = array<i32>} : memref<32x128xi32, #tpu.memory_space<vmem>>, vector<1x16xi32>,
      %add3A_57 = vector.broadcast %mul3A_49 : i32 to vector<16xi32>
      %add3A_58 = arith.addi %get3A_7, %add3A_57 : vector<16xi32>
      %swap3A_59 = arith.index_cast %scan3A_42 : i32 to index
      %swap3A_60 = arith.constant 16 : index
      %swap3A_61 = tpu.vector_load %arg7[%swap3A_59, %swap3A_60] {strides = array<i32>} : memref<32x128xi32, #tpu.memory_space<vmem>>, vector<1x16xi32>,
      %swap3A_62 = vector.shape_cast %swap3A_61 : vector<1x16xi32> to vector<16xi32>
      %swap3A_63 = vector.shape_cast %add3A_58 : vector<16xi32> to vector<1x16xi32>
      tpu.vector_store %arg7[%swap3A_59, %swap3A_60], %swap3A_63 {strides = array<i32>} : memref<32x128xi32, #tpu.memory_space<vmem>>, vector<1x16xi32>,
      %mul3A_64 = arith.constant 4 : i32
      %mul3A_65 = arith.muli %mul3A_64, %scan3A_42 : i32
      %add3A_66 = arith.constant 1 : i32
      %add3A_67 = arith.addi %mul3A_65, %add3A_66 : i32
      %mul3A_68 = arith.constant 100000 : i32
      %mul3A_69 = arith.muli %add3A_67, %mul3A_68 : i32
      %add3A_70 = vector.broadcast %mul3A_69 : i32 to vector<16xi32>
      %add3A_71 = arith.addi %get3A_4, %add3A_70 : vector<16xi32>
      %swap3A_72 = arith.index_cast %scan3A_42 : i32 to index
      %swap3A_73 = arith.constant 32 : index
      %swap3A_74 = tpu.vector_load %arg7[%swap3A_72, %swap3A_73] {strides = array<i32>} : memref<32x128xi32, #tpu.memory_space<vmem>>, vector<1x16xi32>,
      %swap3A_75 = vector.shape_cast %swap3A_74 : vector<1x16xi32> to vector<16xi32>
      %swap3A_76 = vector.shape_cast %add3A_71 : vector<16xi32> to vector<1x16xi32>
      tpu.vector_store %arg7[%swap3A_72, %swap3A_73], %swap3A_76 {strides = array<i32>} : memref<32x128xi32, #tpu.memory_space<vmem>>, vector<1x16xi32>,
      %add3A_77 = vector.broadcast %mul3A_69 : i32 to vector<16xi32>
      %add3A_78 = arith.addi %get3A_7, %add3A_77 : vector<16xi32>
      %swap3A_79 = arith.index_cast %scan3A_42 : i32 to index
      %swap3A_80 = arith.constant 48 : index
      %swap3A_81 = tpu.vector_load %arg7[%swap3A_79, %swap3A_80] {strides = array<i32>} : memref<32x128xi32, #tpu.memory_space<vmem>>, vector<1x16xi32>,
      %swap3A_82 = vector.shape_cast %swap3A_81 : vector<1x16xi32> to vector<16xi32>
      %swap3A_83 = vector.shape_cast %add3A_78 : vector<16xi32> to vector<1x16xi32>
      tpu.vector_store %arg7[%swap3A_79, %swap3A_80], %swap3A_83 {strides = array<i32>} : memref<32x128xi32, #tpu.memory_space<vmem>>, vector<1x16xi32>,
      %mul3A_84 = arith.constant 4 : i32
      %mul3A_85 = arith.muli %mul3A_84, %scan3A_42 : i32
      %add3A_86 = arith.constant 2 : i32
      %add3A_87 = arith.addi %mul3A_85, %add3A_86 : i32
      %mul3A_88 = arith.constant 100000 : i32
      %mul3A_89 = arith.muli %add3A_87, %mul3A_88 : i32
      %add3A_90 = vector.broadcast %mul3A_89 : i32 to vector<16xi32>
      %add3A_91 = arith.addi %get3A_4, %add3A_90 : vector<16xi32>
      %swap3A_92 = arith.index_cast %scan3A_42 : i32 to index
      %swap3A_93 = arith.constant 64 : index
      %swap3A_94 = tpu.vector_load %arg7[%swap3A_92, %swap3A_93] {strides = array<i32>} : memref<32x128xi32, #tpu.memory_space<vmem>>, vector<1x16xi32>,
      %swap3A_95 = vector.shape_cast %swap3A_94 : vector<1x16xi32> to vector<16xi32>
      %swap3A_96 = vector.shape_cast %add3A_91 : vector<16xi32> to vector<1x16xi32>
      tpu.vector_store %arg7[%swap3A_92, %swap3A_93], %swap3A_96 {strides = array<i32>} : memref<32x128xi32, #tpu.memory_space<vmem>>, vector<1x16xi32>,
      %add3A_97 = vector.broadcast %mul3A_89 : i32 to vector<16xi32>
      %add3A_98 = arith.addi %get3A_7, %add3A_97 : vector<16xi32>
      %swap3A_99 = arith.index_cast %scan3A_42 : i32 to index
      %swap3A_100 = arith.constant 80 : index
      %swap3A_101 = tpu.vector_load %arg7[%swap3A_99, %swap3A_100] {strides = array<i32>} : memref<32x128xi32, #tpu.memory_space<vmem>>, vector<1x16xi32>,
      %swap3A_102 = vector.shape_cast %swap3A_101 : vector<1x16xi32> to vector<16xi32>
      %swap3A_103 = vector.shape_cast %add3A_98 : vector<16xi32> to vector<1x16xi32>
      tpu.vector_store %arg7[%swap3A_99, %swap3A_100], %swap3A_103 {strides = array<i32>} : memref<32x128xi32, #tpu.memory_space<vmem>>, vector<1x16xi32>,
      %mul3A_104 = arith.constant 4 : i32
      %mul3A_105 = arith.muli %mul3A_104, %scan3A_42 : i32
      %add3A_106 = arith.constant 3 : i32
      %add3A_107 = arith.addi %mul3A_105, %add3A_106 : i32
      %mul3A_108 = arith.constant 100000 : i32
      %mul3A_109 = arith.muli %add3A_107, %mul3A_108 : i32
      %add3A_110 = vector.broadcast %mul3A_109 : i32 to vector<16xi32>
      %add3A_111 = arith.addi %get3A_4, %add3A_110 : vector<16xi32>
      %swap3A_112 = arith.index_cast %scan3A_42 : i32 to index
      %swap3A_113 = arith.constant 96 : index
      %swap3A_114 = tpu.vector_load %arg7[%swap3A_112, %swap3A_113] {strides = array<i32>} : memref<32x128xi32, #tpu.memory_space<vmem>>, vector<1x16xi32>,
      %swap3A_115 = vector.shape_cast %swap3A_114 : vector<1x16xi32> to vector<16xi32>
      %swap3A_116 = vector.shape_cast %add3A_111 : vector<16xi32> to vector<1x16xi32>
      tpu.vector_store %arg7[%swap3A_112, %swap3A_113], %swap3A_116 {strides = array<i32>} : memref<32x128xi32, #tpu.memory_space<vmem>>, vector<1x16xi32>,
      %add3A_117 = vector.broadcast %mul3A_109 : i32 to vector<16xi32>
      %add3A_118 = arith.addi %get3A_7, %add3A_117 : vector<16xi32>
      %swap3A_119 = arith.index_cast %scan3A_42 : i32 to index
      %swap3A_120 = arith.constant 112 : index
      %swap3A_121 = tpu.vector_load %arg7[%swap3A_119, %swap3A_120] {strides = array<i32>} : memref<32x128xi32, #tpu.memory_space<vmem>>, vector<1x16xi32>,
      %swap3A_122 = vector.shape_cast %swap3A_121 : vector<1x16xi32> to vector<16xi32>
      %swap3A_123 = vector.shape_cast %add3A_118 : vector<16xi32> to vector<1x16xi32>
      tpu.vector_store %arg7[%swap3A_119, %swap3A_120], %swap3A_123 {strides = array<i32>} : memref<32x128xi32, #tpu.memory_space<vmem>>, vector<1x16xi32>,
      %scan3A_124 = arith.constant 0 : i32
      scf.yield %scan3A_124 : i32
    }
    %scan3A_13 = arith.constant 32 : i32
    %scan3A_14 = arith.constant 0 : i32
    %scan3A_15 = arith.constant 0 : i32
    %scan3A_16 = arith.constant 32 : i32
    %scan3A_17 = arith.addi %scan3A_15, %scan3A_16 : i32
    %scan3A_18 = arith.constant 1 : i32
    %scan3A_19 = scf.for %scan3A_42 = %scan3A_15 to %scan3A_17 step %scan3A_18 iter_args(%scan3A_43 = %scan3A_14) -> (i32)  : i32 {
      %dma_start3A = arith.constant 0 : i32
      %dma_start3A_44 = tpu.memref_slice %arg8[%scan3A_42, %dma_start3A] : memref<32x128xf32, #tpu.memory_space<vmem>> -> memref<1x128xf32, #tpu.memory_space<vmem>>
      %dma_start3A_45 = tpu.memref_squeeze %dma_start3A_44 : memref<1x128xf32, #tpu.memory_space<vmem>> -> memref<128xf32, #tpu.memory_space<vmem>>
      %dma_start3A_46 = arith.constant 0 : i32
      %dma_start3A_47 = tpu.memref_slice %arg7[%scan3A_42, %dma_start3A_46] : memref<32x128xi32, #tpu.memory_space<vmem>> -> memref<1x128xi32, #tpu.memory_space<vmem>>
      %dma_start3A_48 = tpu.memref_squeeze %dma_start3A_47 : memref<1x128xi32, #tpu.memory_space<vmem>> -> memref<128xi32, #tpu.memory_space<vmem>>
      %dma_start3A_49 = arith.constant 0 : i32
      %dma_start3A_50 = tpu.memref_slice %arg2[%dma_start3A_49] : memref<12800000xf32, #tpu.memory_space<hbm>> -> memref<12800000xf32, #tpu.memory_space<hbm>>
      tpu.enqueue_indirect_dma source(%dma_start3A_50 : memref<12800000xf32, #tpu.memory_space<hbm>>) target(%dma_start3A_45 : memref<128xf32, #tpu.memory_space<vmem>>) offsets(%dma_start3A_48 : memref<128xi32, #tpu.memory_space<vmem>>) semaphore(%arg11 : memref<!tpu.dma_semaphore, #tpu.memory_space<semaphore_mem>>)
      %scan3A_51 = arith.constant 0 : i32
      scf.yield %scan3A_51 : i32
    }
    %scan3A_20 = arith.constant 32 : i32
    %scan3A_21 = arith.constant 0 : i32
    %scan3A_22 = arith.constant 0 : i32
    %scan3A_23 = arith.constant 32 : i32
    %scan3A_24 = arith.addi %scan3A_22, %scan3A_23 : i32
    %scan3A_25 = arith.constant 1 : i32
    %scan3A_26 = scf.for %scan3A_42 = %scan3A_22 to %scan3A_24 step %scan3A_25 iter_args(%scan3A_43 = %scan3A_21) -> (i32)  : i32 {
      %dma_wait3A = arith.constant 0 : i32
      %dma_wait3A_44 = tpu.memref_slice %arg8[%scan3A_42, %dma_wait3A] : memref<32x128xf32, #tpu.memory_space<vmem>> -> memref<1x128xf32, #tpu.memory_space<vmem>>
      %dma_wait3A_45 = tpu.memref_squeeze %dma_wait3A_44 : memref<1x128xf32, #tpu.memory_space<vmem>> -> memref<128xf32, #tpu.memory_space<vmem>>
      %dma_wait3A_46 = arith.constant 0 : i32
      %dma_wait3A_47 = tpu.memref_slice %arg7[%scan3A_42, %dma_wait3A_46] : memref<32x128xi32, #tpu.memory_space<vmem>> -> memref<1x128xi32, #tpu.memory_space<vmem>>
      %dma_wait3A_48 = tpu.memref_squeeze %dma_wait3A_47 : memref<1x128xi32, #tpu.memory_space<vmem>> -> memref<128xi32, #tpu.memory_space<vmem>>
      %dma_wait3A_49 = arith.constant 0 : i32
      %dma_wait3A_50 = tpu.memref_slice %arg2[%dma_wait3A_49] : memref<12800000xf32, #tpu.memory_space<hbm>> -> memref<12800000xf32, #tpu.memory_space<hbm>>
      tpu.wait_indirect_dma semaphore(%arg11 : memref<!tpu.dma_semaphore, #tpu.memory_space<semaphore_mem>>) src(%dma_wait3A_50 : memref<12800000xf32, #tpu.memory_space<hbm>>) dst(%dma_wait3A_45 : memref<128xf32, #tpu.memory_space<vmem>>)
      %scan3A_51 = arith.constant 0 : i32
      scf.yield %scan3A_51 : i32
    }
    %scan3A_27 = arith.constant 32 : i32
    %broadcast_in_dim3A = arith.constant 0.000000e+00 : f32
    %broadcast_in_dim3A_28 = vector.broadcast %broadcast_in_dim3A : f32 to vector<16xf32>
    %scan3A_29 = arith.constant 0 : i32
    %scan3A_30 = arith.constant 32 : i32
    %scan3A_31 = arith.addi %scan3A_29, %scan3A_30 : i32
    %scan3A_32 = arith.constant 1 : i32
    %scan3A_33:2 = scf.for %scan3A_42 = %scan3A_29 to %scan3A_31 step %scan3A_32 iter_args(%scan3A_43 = %broadcast_in_dim3A_28, %scan3A_44 = %broadcast_in_dim3A_28) -> (vector<16xf32>, vector<16xf32>)  : i32 {
      %mul3A_45 = arith.constant 4 : i32
      %mul3A_46 = arith.muli %mul3A_45, %scan3A_42 : i32
      %add3A_47 = arith.constant 0 : i32
      %add3A_48 = arith.addi %mul3A_46, %add3A_47 : i32
      %get3A_49 = arith.index_cast %add3A_48 : i32 to index
      %get3A_50 = arith.constant 0 : index
      %get3A_51 = tpu.vector_load %arg9[%get3A_49, %get3A_50] {strides = array<i32>} : memref<128x32xf32, #tpu.memory_space<vmem>>, vector<1x16xf32>,
      %get3A_52 = vector.shape_cast %get3A_51 : vector<1x16xf32> to vector<16xf32>
      %get3A_53 = arith.index_cast %scan3A_42 : i32 to index
      %get3A_54 = arith.constant 0 : index
      %get3A_55 = tpu.vector_load %arg8[%get3A_53, %get3A_54] {strides = array<i32>} : memref<32x128xf32, #tpu.memory_space<vmem>>, vector<1x16xf32>,
      %get3A_56 = vector.shape_cast %get3A_55 : vector<1x16xf32> to vector<16xf32>
      %mul3A_57 = arith.mulf %get3A_52, %get3A_56 : vector<16xf32>
      %add3A_58 = arith.addf %scan3A_43, %mul3A_57 : vector<16xf32>
      %get3A_59 = arith.index_cast %add3A_48 : i32 to index
      %get3A_60 = arith.constant 16 : index
      %get3A_61 = tpu.vector_load %arg9[%get3A_59, %get3A_60] {strides = array<i32>} : memref<128x32xf32, #tpu.memory_space<vmem>>, vector<1x16xf32>,
      %get3A_62 = vector.shape_cast %get3A_61 : vector<1x16xf32> to vector<16xf32>
      %get3A_63 = arith.index_cast %scan3A_42 : i32 to index
      %get3A_64 = arith.constant 16 : index
      %get3A_65 = tpu.vector_load %arg8[%get3A_63, %get3A_64] {strides = array<i32>} : memref<32x128xf32, #tpu.memory_space<vmem>>, vector<1x16xf32>,
      %get3A_66 = vector.shape_cast %get3A_65 : vector<1x16xf32> to vector<16xf32>
      %mul3A_67 = arith.mulf %get3A_62, %get3A_66 : vector<16xf32>
      %add3A_68 = arith.addf %scan3A_44, %mul3A_67 : vector<16xf32>
      %mul3A_69 = arith.constant 4 : i32
      %mul3A_70 = arith.muli %mul3A_69, %scan3A_42 : i32
      %add3A_71 = arith.constant 1 : i32
      %add3A_72 = arith.addi %mul3A_70, %add3A_71 : i32
      %get3A_73 = arith.index_cast %add3A_72 : i32 to index
      %get3A_74 = arith.constant 0 : index
      %get3A_75 = tpu.vector_load %arg9[%get3A_73, %get3A_74] {strides = array<i32>} : memref<128x32xf32, #tpu.memory_space<vmem>>, vector<1x16xf32>,
      %get3A_76 = vector.shape_cast %get3A_75 : vector<1x16xf32> to vector<16xf32>
      %get3A_77 = arith.index_cast %scan3A_42 : i32 to index
      %get3A_78 = arith.constant 32 : index
      %get3A_79 = tpu.vector_load %arg8[%get3A_77, %get3A_78] {strides = array<i32>} : memref<32x128xf32, #tpu.memory_space<vmem>>, vector<1x16xf32>,
      %get3A_80 = vector.shape_cast %get3A_79 : vector<1x16xf32> to vector<16xf32>
      %mul3A_81 = arith.mulf %get3A_76, %get3A_80 : vector<16xf32>
      %add3A_82 = arith.addf %add3A_58, %mul3A_81 : vector<16xf32>
      %get3A_83 = arith.index_cast %add3A_72 : i32 to index
      %get3A_84 = arith.constant 16 : index
      %get3A_85 = tpu.vector_load %arg9[%get3A_83, %get3A_84] {strides = array<i32>} : memref<128x32xf32, #tpu.memory_space<vmem>>, vector<1x16xf32>,
      %get3A_86 = vector.shape_cast %get3A_85 : vector<1x16xf32> to vector<16xf32>
      %get3A_87 = arith.index_cast %scan3A_42 : i32 to index
      %get3A_88 = arith.constant 48 : index
      %get3A_89 = tpu.vector_load %arg8[%get3A_87, %get3A_88] {strides = array<i32>} : memref<32x128xf32, #tpu.memory_space<vmem>>, vector<1x16xf32>,
      %get3A_90 = vector.shape_cast %get3A_89 : vector<1x16xf32> to vector<16xf32>
      %mul3A_91 = arith.mulf %get3A_86, %get3A_90 : vector<16xf32>
      %add3A_92 = arith.addf %add3A_68, %mul3A_91 : vector<16xf32>
      %mul3A_93 = arith.constant 4 : i32
      %mul3A_94 = arith.muli %mul3A_93, %scan3A_42 : i32
      %add3A_95 = arith.constant 2 : i32
      %add3A_96 = arith.addi %mul3A_94, %add3A_95 : i32
      %get3A_97 = arith.index_cast %add3A_96 : i32 to index
      %get3A_98 = arith.constant 0 : index
      %get3A_99 = tpu.vector_load %arg9[%get3A_97, %get3A_98] {strides = array<i32>} : memref<128x32xf32, #tpu.memory_space<vmem>>, vector<1x16xf32>,
      %get3A_100 = vector.shape_cast %get3A_99 : vector<1x16xf32> to vector<16xf32>
      %get3A_101 = arith.index_cast %scan3A_42 : i32 to index
      %get3A_102 = arith.constant 64 : index
      %get3A_103 = tpu.vector_load %arg8[%get3A_101, %get3A_102] {strides = array<i32>} : memref<32x128xf32, #tpu.memory_space<vmem>>, vector<1x16xf32>,
      %get3A_104 = vector.shape_cast %get3A_103 : vector<1x16xf32> to vector<16xf32>
      %mul3A_105 = arith.mulf %get3A_100, %get3A_104 : vector<16xf32>
      %add3A_106 = arith.addf %add3A_82, %mul3A_105 : vector<16xf32>
      %get3A_107 = arith.index_cast %add3A_96 : i32 to index
      %get3A_108 = arith.constant 16 : index
      %get3A_109 = tpu.vector_load %arg9[%get3A_107, %get3A_108] {strides = array<i32>} : memref<128x32xf32, #tpu.memory_space<vmem>>, vector<1x16xf32>,
      %get3A_110 = vector.shape_cast %get3A_109 : vector<1x16xf32> to vector<16xf32>
      %get3A_111 = arith.index_cast %scan3A_42 : i32 to index
      %get3A_112 = arith.constant 80 : index
      %get3A_113 = tpu.vector_load %arg8[%get3A_111, %get3A_112] {strides = array<i32>} : memref<32x128xf32, #tpu.memory_space<vmem>>, vector<1x16xf32>,
      %get3A_114 = vector.shape_cast %get3A_113 : vector<1x16xf32> to vector<16xf32>
      %mul3A_115 = arith.mulf %get3A_110, %get3A_114 : vector<16xf32>
      %add3A_116 = arith.addf %add3A_92, %mul3A_115 : vector<16xf32>
      %mul3A_117 = arith.constant 4 : i32
      %mul3A_118 = arith.muli %mul3A_117, %scan3A_42 : i32
      %add3A_119 = arith.constant 3 : i32
      %add3A_120 = arith.addi %mul3A_118, %add3A_119 : i32
      %get3A_121 = arith.index_cast %add3A_120 : i32 to index
      %get3A_122 = arith.constant 0 : index
      %get3A_123 = tpu.vector_load %arg9[%get3A_121, %get3A_122] {strides = array<i32>} : memref<128x32xf32, #tpu.memory_space<vmem>>, vector<1x16xf32>,
      %get3A_124 = vector.shape_cast %get3A_123 : vector<1x16xf32> to vector<16xf32>
      %get3A_125 = arith.index_cast %scan3A_42 : i32 to index
      %get3A_126 = arith.constant 96 : index
      %get3A_127 = tpu.vector_load %arg8[%get3A_125, %get3A_126] {strides = array<i32>} : memref<32x128xf32, #tpu.memory_space<vmem>>, vector<1x16xf32>,
      %get3A_128 = vector.shape_cast %get3A_127 : vector<1x16xf32> to vector<16xf32>
      %mul3A_129 = arith.mulf %get3A_124, %get3A_128 : vector<16xf32>
      %add3A_130 = arith.addf %add3A_106, %mul3A_129 : vector<16xf32>
      %get3A_131 = arith.index_cast %add3A_120 : i32 to index
      %get3A_132 = arith.constant 16 : index
      %get3A_133 = tpu.vector_load %arg9[%get3A_131, %get3A_132] {strides = array<i32>} : memref<128x32xf32, #tpu.memory_space<vmem>>, vector<1x16xf32>,
      %get3A_134 = vector.shape_cast %get3A_133 : vector<1x16xf32> to vector<16xf32>
      %get3A_135 = arith.index_cast %scan3A_42 : i32 to index
      %get3A_136 = arith.constant 112 : index
      %get3A_137 = tpu.vector_load %arg8[%get3A_135, %get3A_136] {strides = array<i32>} : memref<32x128xf32, #tpu.memory_space<vmem>>, vector<1x16xf32>,
      %get3A_138 = vector.shape_cast %get3A_137 : vector<1x16xf32> to vector<16xf32>
      %mul3A_139 = arith.mulf %get3A_134, %get3A_138 : vector<16xf32>
      %add3A_140 = arith.addf %add3A_116, %mul3A_139 : vector<16xf32>
      scf.yield %add3A_130, %add3A_140 : vector<16xf32>, vector<16xf32>
    }
    %scan3A_34 = arith.constant 32 : i32
    %swap3A = arith.constant 0 : index
    %swap3A_35 = tpu.vector_load %arg10[%swap3A] {strides = array<i32>} : memref<32xf32, #tpu.memory_space<vmem>>, vector<16xf32>,
    %swap3A_36 = vector.shape_cast %swap3A_35 : vector<16xf32> to vector<16xf32>
    %swap3A_37 = vector.shape_cast %scan3A_33#0 : vector<16xf32> to vector<16xf32>
    tpu.vector_store %arg10[%swap3A], %swap3A_37 {strides = array<i32>} : memref<32xf32, #tpu.memory_space<vmem>>, vector<16xf32>,
    %swap3A_38 = arith.constant 16 : index
    %swap3A_39 = tpu.vector_load %arg10[%swap3A_38] {strides = array<i32>} : memref<32xf32, #tpu.memory_space<vmem>>, vector<16xf32>,
    %swap3A_40 = vector.shape_cast %swap3A_39 : vector<16xf32> to vector<16xf32>
    %swap3A_41 = vector.shape_cast %scan3A_33#1 : vector<16xf32> to vector<16xf32>
    tpu.vector_store %arg10[%swap3A_38], %swap3A_41 {strides = array<i32>} : memref<32xf32, #tpu.memory_space<vmem>>, vector<16xf32>,
    "tpu.region"() ({
      %run_scoped3A = tpu.sem_alloc : memref<!tpu.dma_semaphore, #tpu.memory_space<semaphore_mem>>
      %dma_start3A = tpu.memref_slice %arg5[%mul3A_2] : memref<1024xf32, #tpu.memory_space<hbm>> -> memref<32xf32, #tpu.memory_space<hbm>>
      %dma_start3A_42 = tpu.memref_slice %arg5[%mul3A_2] : memref<1024xf32, #tpu.memory_space<hbm>> -> memref<32xf32, #tpu.memory_space<hbm>>
      tpu.enqueue_dma source(%arg10 : memref<32xf32, #tpu.memory_space<vmem>>) target(%dma_start3A_42 : memref<32xf32, #tpu.memory_space<hbm>>) target_semaphore(%run_scoped3A : memref<!tpu.dma_semaphore, #tpu.memory_space<semaphore_mem>>)
      %dma_wait3A = tpu.memref_slice %arg5[%mul3A_2] : memref<1024xf32, #tpu.memory_space<hbm>> -> memref<32xf32, #tpu.memory_space<hbm>>
      %dma_wait3A_43 = tpu.memref_slice %arg5[%mul3A_2] : memref<1024xf32, #tpu.memory_space<hbm>> -> memref<32xf32, #tpu.memory_space<hbm>>
      tpu.wait_dma2 semaphore(%run_scoped3A : memref<!tpu.dma_semaphore, #tpu.memory_space<semaphore_mem>>) src(%arg10 : memref<32xf32, #tpu.memory_space<vmem>>) dst(%dma_wait3A_43 : memref<32xf32, #tpu.memory_space<hbm>>)
      tpu.yield
    }) : () -> ()
    return
  }
}

module attributes {stable_mosaic.version = 14 : i64} {
  func.func @_main_body(%arg0: i32, %arg1: memref<128x2048xf32, #tpu.memory_space<vmem>>, %arg2: memref<1024x128xf32, #tpu.memory_space<vmem>>, %arg3: memref<1x1024xi32, #tpu.memory_space<vmem>>, %arg4: memref<8x1024xf32, #tpu.memory_space<vmem>>, %arg5: memref<8x1024xi32, #tpu.memory_space<vmem>>, %arg6: memref<8x1024xf32, #tpu.memory_space<vmem>>, %arg7: memref<8x1024xi32, #tpu.memory_space<vmem>>, %arg8: memref<2x2048x1024xf32, #tpu.memory_space<vmem>>) attributes {dimension_semantics = [#tpu.dimension_semantics<arbitrary>], iteration_bounds = array<i64: 50>, scalar_prefetch = 0 : i64, scratch_operands = 5 : i64, tpu.core_type = #tpu.core_type<tc>, window_params = [{transform_indices = @transform_0, window_bounds = array<i64: 128, 2048>}, {pipeline_mode = #tpu.pipeline_mode<synchronous>, transform_indices = @transform_1, window_bounds = array<i64: 1024, 128>}, {pipeline_mode = #tpu.pipeline_mode<synchronous>, transform_indices = @transform_2, window_bounds = array<i64: 1, 1024>}]} {
    %eq3A = arith.constant 0 : i32
    %eq3A_0 = arith.cmpi eq, %arg0, %eq3A : i32
    %convert_element_type3A = arith.extui %eq3A_0 : i1 to i32
    %cond3A = arith.constant 0 : i32
    %cond3A_1 = arith.cmpi ne, %convert_element_type3A, %cond3A : i32
    scf.if %cond3A_1 {
      %broadcast_in_dim3A = arith.constant 0x7F800000 : f32
      %broadcast_in_dim3A_86 = vector.broadcast %broadcast_in_dim3A : f32 to vector<2048x1024xf32>
      %swap3A_87 = arith.constant 1 : index
      %swap3A_88 = arith.constant 0 : index
      %swap3A_89 = arith.constant 0 : index
      %swap3A_90 = vector.load %arg8[%swap3A_87, %swap3A_88, %swap3A_89] : memref<2x2048x1024xf32, #tpu.memory_space<vmem>>, vector<1x2048x1024xf32>
      %swap3A_91 = vector.shape_cast %swap3A_90 : vector<1x2048x1024xf32> to vector<2048x1024xf32>
      %swap3A_92 = vector.shape_cast %broadcast_in_dim3A_86 : vector<2048x1024xf32> to vector<1x2048x1024xf32>
      tpu.vector_store %arg8[%swap3A_87, %swap3A_88, %swap3A_89], %swap3A_92 {strides = array<i32>} : memref<2x2048x1024xf32, #tpu.memory_space<vmem>>, vector<1x2048x1024xf32>,
      %broadcast_in_dim3A_93 = arith.constant 0x7F800000 : f32
      %broadcast_in_dim3A_94 = vector.broadcast %broadcast_in_dim3A_93 : f32 to vector<8x1024xf32>
      %swap3A_95 = arith.constant 0 : index
      %swap3A_96 = arith.constant 0 : index
      %swap3A_97 = vector.load %arg4[%swap3A_95, %swap3A_96] : memref<8x1024xf32, #tpu.memory_space<vmem>>, vector<8x1024xf32>
      tpu.vector_store %arg4[%swap3A_95, %swap3A_96], %broadcast_in_dim3A_94 {strides = array<i32>} : memref<8x1024xf32, #tpu.memory_space<vmem>>, vector<8x1024xf32>,
      %broadcast_in_dim3A_98 = arith.constant 2147483647 : i32
      %broadcast_in_dim3A_99 = vector.broadcast %broadcast_in_dim3A_98 : i32 to vector<8x1024xi32>
      %swap3A_100 = arith.constant 0 : index
      %swap3A_101 = arith.constant 0 : index
      %swap3A_102 = vector.load %arg5[%swap3A_100, %swap3A_101] : memref<8x1024xi32, #tpu.memory_space<vmem>>, vector<8x1024xi32>
      tpu.vector_store %arg5[%swap3A_100, %swap3A_101], %broadcast_in_dim3A_99 {strides = array<i32>} : memref<8x1024xi32, #tpu.memory_space<vmem>>, vector<8x1024xi32>,
      %broadcast_in_dim3A_103 = arith.constant 0x7F800000 : f32
      %broadcast_in_dim3A_104 = vector.broadcast %broadcast_in_dim3A_103 : f32 to vector<8x1024xf32>
      %swap3A_105 = arith.constant 0 : index
      %swap3A_106 = arith.constant 0 : index
      %swap3A_107 = vector.load %arg6[%swap3A_105, %swap3A_106] : memref<8x1024xf32, #tpu.memory_space<vmem>>, vector<8x1024xf32>
      tpu.vector_store %arg6[%swap3A_105, %swap3A_106], %broadcast_in_dim3A_104 {strides = array<i32>} : memref<8x1024xf32, #tpu.memory_space<vmem>>, vector<8x1024xf32>,
      %broadcast_in_dim3A_108 = arith.constant 2147483647 : i32
      %broadcast_in_dim3A_109 = vector.broadcast %broadcast_in_dim3A_108 : i32 to vector<8x1024xi32>
      %swap3A_110 = arith.constant 0 : index
      %swap3A_111 = arith.constant 0 : index
      %swap3A_112 = vector.load %arg7[%swap3A_110, %swap3A_111] : memref<8x1024xi32, #tpu.memory_space<vmem>>, vector<8x1024xi32>
      tpu.vector_store %arg7[%swap3A_110, %swap3A_111], %broadcast_in_dim3A_109 {strides = array<i32>} : memref<8x1024xi32, #tpu.memory_space<vmem>>, vector<8x1024xi32>,
    } else {
    }
    %iota3A = tpu.iota {dimensions = array<i32: 0>} : vector<8x1024xi32>
    %eq3A_2 = arith.constant 49 : i32
    %eq3A_3 = arith.cmpi eq, %arg0, %eq3A_2 : i32
    %jit3A = arith.constant 53 : i32
    %jit3A_4 = arith.constant 64 : i32
    %select_n3A = arith.select %eq3A_3, %jit3A, %jit3A_4 : i32
    %get3A = arith.constant 0 : index
    %get3A_5 = arith.constant 0 : index
    %get3A_6 = vector.load %arg4[%get3A, %get3A_5] : memref<8x1024xf32, #tpu.memory_space<vmem>>, vector<8x1024xf32>
    %get3A_7 = arith.constant 0 : index
    %get3A_8 = arith.constant 0 : index
    %get3A_9 = vector.load %arg5[%get3A_7, %get3A_8] : memref<8x1024xi32, #tpu.memory_space<vmem>>, vector<8x1024xi32>
    %get3A_10 = arith.constant 0 : index
    %get3A_11 = arith.constant 0 : index
    %get3A_12 = vector.load %arg6[%get3A_10, %get3A_11] : memref<8x1024xf32, #tpu.memory_space<vmem>>, vector<8x1024xf32>
    %get3A_13 = arith.constant 0 : index
    %get3A_14 = arith.constant 0 : index
    %get3A_15 = vector.load %arg7[%get3A_13, %get3A_14] : memref<8x1024xi32, #tpu.memory_space<vmem>>, vector<8x1024xi32>
    %add3A = arith.constant 1 : i32
    %add3A_16 = arith.addi %arg0, %add3A : i32
    %jit3A_17 = arith.constant 2 : i32
    %eq3A_18 = arith.constant 0 : i32
    %eq3A_19 = arith.cmpi eq, %jit3A_17, %eq3A_18 : i32
    %jit3A_20 = arith.constant 1 : i32
    %select_n3A_21 = arith.select %eq3A_19, %jit3A_20, %jit3A_17 : i32
    %rem3A = arith.remsi %add3A_16, %select_n3A_21 : i32
    %ne3A = arith.constant 0 : i32
    %ne3A_22 = arith.cmpi ne, %rem3A, %ne3A : i32
    %lt3A = arith.constant 0 : i32
    %lt3A_23 = arith.cmpi slt, %rem3A, %lt3A : i32
    %lt3A_24 = arith.constant 0 : i32
    %lt3A_25 = arith.cmpi slt, %select_n3A_21, %lt3A_24 : i32
    %ne3A_26 = arith.xori %lt3A_23, %lt3A_25 : i1
    %and3A = arith.andi %ne3A_26, %ne3A_22 : i1
    %add3A_27 = arith.addi %rem3A, %select_n3A_21 : i32
    %select_n3A_28 = arith.select %and3A, %add3A_27, %rem3A : i32
    %sub3A = arith.constant 1 : i32
    %sub3A_29 = arith.subi %arg0, %sub3A : i32
    %mul3A = arith.constant 2048 : i32
    %mul3A_30 = arith.muli %sub3A_29, %mul3A : i32
    %while3A = arith.constant 0 : i32
    %while3A_31 = arith.subi %select_n3A, %while3A : i32
    %while3A_32 = arith.addi %while3A, %while3A_31 : i32
    %while3A_33 = arith.constant 1 : i32
    %while3A_34 = arith.divsi %while3A_31, %while3A_33 : i32
    %while3A_35 = arith.muli %while3A_34, %while3A_33 : i32
    %while3A_36 = arith.addi %while3A, %while3A_35 : i32
    %while3A_37 = arith.constant 1 : i32
    %while3A_38:4 = scf.for %while3A_86 = %while3A to %while3A_36 step %while3A_37 iter_args(%while3A_87 = %get3A_6, %while3A_88 = %get3A_9, %while3A_89 = %get3A_12, %while3A_90 = %get3A_15) -> (vector<8x1024xf32>, vector<8x1024xi32>, vector<8x1024xf32>, vector<8x1024xi32>)  : i32 {
      %mul3A_91 = arith.constant 32 : i32
      %mul3A_92 = arith.muli %while3A_86, %mul3A_91 : i32
      %get3A_93 = arith.index_cast %select_n3A_28 : i32 to index
      %get3A_94 = arith.index_cast %mul3A_92 : i32 to index
      %get3A_95 = arith.constant 0 : index
      %get3A_96 = vector.load %arg8[%get3A_93, %get3A_94, %get3A_95] : memref<2x2048x1024xf32, #tpu.memory_space<vmem>>, vector<1x32x1024xf32>
      %get3A_97 = vector.shape_cast %get3A_96 : vector<1x32x1024xf32> to vector<32x1024xf32>
      %slice3A = vector.extract_strided_slice %get3A_97 {offsets = [0, 0], sizes = [8, 1024], strides = [1, 1]} : vector<32x1024xf32> to vector<8x1024xf32>
      %mul3A_98 = arith.constant 32 : i32
      %mul3A_99 = arith.muli %while3A_86, %mul3A_98 : i32
      %add3A_100 = arith.addi %mul3A_30, %mul3A_99 : i32
      %add3A_101 = arith.constant 0 : i32
      %add3A_102 = arith.addi %add3A_100, %add3A_101 : i32
      %add3A_103 = vector.broadcast %add3A_102 : i32 to vector<8x1024xi32>
      %add3A_104 = arith.addi %iota3A, %add3A_103 : vector<8x1024xi32>
      %lt3A_105 = arith.cmpf olt, %slice3A, %while3A_87 : vector<8x1024xf32>
      %lt3A_106 = arith.cmpf olt, %slice3A, %while3A_89 : vector<8x1024xf32>
      %select_n3A_107 = arith.select %lt3A_106, %slice3A, %while3A_89 : vector<8x1024xi1>, vector<8x1024xf32>
      %select_n3A_108 = arith.select %lt3A_106, %add3A_104, %while3A_90 : vector<8x1024xi1>, vector<8x1024xi32>
      %select_n3A_109 = arith.select %lt3A_105, %while3A_87, %select_n3A_107 : vector<8x1024xi1>, vector<8x1024xf32>
      %select_n3A_110 = arith.select %lt3A_105, %while3A_88, %select_n3A_108 : vector<8x1024xi1>, vector<8x1024xi32>
      %select_n3A_111 = arith.select %lt3A_105, %slice3A, %while3A_87 : vector<8x1024xi1>, vector<8x1024xf32>
      %select_n3A_112 = arith.select %lt3A_105, %add3A_104, %while3A_88 : vector<8x1024xi1>, vector<8x1024xi32>
      %slice3A_113 = vector.extract_strided_slice %get3A_97 {offsets = [8, 0], sizes = [8, 1024], strides = [1, 1]} : vector<32x1024xf32> to vector<8x1024xf32>
      %mul3A_114 = arith.constant 32 : i32
      %mul3A_115 = arith.muli %while3A_86, %mul3A_114 : i32
      %add3A_116 = arith.addi %mul3A_30, %mul3A_115 : i32
      %add3A_117 = arith.constant 8 : i32
      %add3A_118 = arith.addi %add3A_116, %add3A_117 : i32
      %add3A_119 = vector.broadcast %add3A_118 : i32 to vector<8x1024xi32>
      %add3A_120 = arith.addi %iota3A, %add3A_119 : vector<8x1024xi32>
      %lt3A_121 = arith.cmpf olt, %slice3A_113, %select_n3A_111 : vector<8x1024xf32>
      %lt3A_122 = arith.cmpf olt, %slice3A_113, %select_n3A_109 : vector<8x1024xf32>
      %select_n3A_123 = arith.select %lt3A_122, %slice3A_113, %select_n3A_109 : vector<8x1024xi1>, vector<8x1024xf32>
      %select_n3A_124 = arith.select %lt3A_122, %add3A_120, %select_n3A_110 : vector<8x1024xi1>, vector<8x1024xi32>
      %select_n3A_125 = arith.select %lt3A_121, %select_n3A_111, %select_n3A_123 : vector<8x1024xi1>, vector<8x1024xf32>
      %select_n3A_126 = arith.select %lt3A_121, %select_n3A_112, %select_n3A_124 : vector<8x1024xi1>, vector<8x1024xi32>
      %select_n3A_127 = arith.select %lt3A_121, %slice3A_113, %select_n3A_111 : vector<8x1024xi1>, vector<8x1024xf32>
      %select_n3A_128 = arith.select %lt3A_121, %add3A_120, %select_n3A_112 : vector<8x1024xi1>, vector<8x1024xi32>
      %slice3A_129 = vector.extract_strided_slice %get3A_97 {offsets = [16, 0], sizes = [8, 1024], strides = [1, 1]} : vector<32x1024xf32> to vector<8x1024xf32>
      %mul3A_130 = arith.constant 32 : i32
      %mul3A_131 = arith.muli %while3A_86, %mul3A_130 : i32
      %add3A_132 = arith.addi %mul3A_30, %mul3A_131 : i32
      %add3A_133 = arith.constant 16 : i32
      %add3A_134 = arith.addi %add3A_132, %add3A_133 : i32
      %add3A_135 = vector.broadcast %add3A_134 : i32 to vector<8x1024xi32>
      %add3A_136 = arith.addi %iota3A, %add3A_135 : vector<8x1024xi32>
      %lt3A_137 = arith.cmpf olt, %slice3A_129, %select_n3A_127 : vector<8x1024xf32>
      %lt3A_138 = arith.cmpf olt, %slice3A_129, %select_n3A_125 : vector<8x1024xf32>
      %select_n3A_139 = arith.select %lt3A_138, %slice3A_129, %select_n3A_125 : vector<8x1024xi1>, vector<8x1024xf32>
      %select_n3A_140 = arith.select %lt3A_138, %add3A_136, %select_n3A_126 : vector<8x1024xi1>, vector<8x1024xi32>
      %select_n3A_141 = arith.select %lt3A_137, %select_n3A_127, %select_n3A_139 : vector<8x1024xi1>, vector<8x1024xf32>
      %select_n3A_142 = arith.select %lt3A_137, %select_n3A_128, %select_n3A_140 : vector<8x1024xi1>, vector<8x1024xi32>
      %select_n3A_143 = arith.select %lt3A_137, %slice3A_129, %select_n3A_127 : vector<8x1024xi1>, vector<8x1024xf32>
      %select_n3A_144 = arith.select %lt3A_137, %add3A_136, %select_n3A_128 : vector<8x1024xi1>, vector<8x1024xi32>
      %slice3A_145 = vector.extract_strided_slice %get3A_97 {offsets = [24, 0], sizes = [8, 1024], strides = [1, 1]} : vector<32x1024xf32> to vector<8x1024xf32>
      %mul3A_146 = arith.constant 32 : i32
      %mul3A_147 = arith.muli %while3A_86, %mul3A_146 : i32
      %add3A_148 = arith.addi %mul3A_30, %mul3A_147 : i32
      %add3A_149 = arith.constant 24 : i32
      %add3A_150 = arith.addi %add3A_148, %add3A_149 : i32
      %add3A_151 = vector.broadcast %add3A_150 : i32 to vector<8x1024xi32>
      %add3A_152 = arith.addi %iota3A, %add3A_151 : vector<8x1024xi32>
      %lt3A_153 = arith.cmpf olt, %slice3A_145, %select_n3A_143 : vector<8x1024xf32>
      %lt3A_154 = arith.cmpf olt, %slice3A_145, %select_n3A_141 : vector<8x1024xf32>
      %select_n3A_155 = arith.select %lt3A_154, %slice3A_145, %select_n3A_141 : vector<8x1024xi1>, vector<8x1024xf32>
      %select_n3A_156 = arith.select %lt3A_154, %add3A_152, %select_n3A_142 : vector<8x1024xi1>, vector<8x1024xi32>
      %select_n3A_157 = arith.select %lt3A_153, %select_n3A_143, %select_n3A_155 : vector<8x1024xi1>, vector<8x1024xf32>
      %select_n3A_158 = arith.select %lt3A_153, %select_n3A_144, %select_n3A_156 : vector<8x1024xi1>, vector<8x1024xi32>
      %select_n3A_159 = arith.select %lt3A_153, %slice3A_145, %select_n3A_143 : vector<8x1024xi1>, vector<8x1024xf32>
      %select_n3A_160 = arith.select %lt3A_153, %add3A_152, %select_n3A_144 : vector<8x1024xi1>, vector<8x1024xi32>
      scf.yield %select_n3A_159, %select_n3A_160, %select_n3A_157, %select_n3A_158 : vector<8x1024xf32>, vector<8x1024xi32>, vector<8x1024xf32>, vector<8x1024xi32>
    }
    %while3A_39 = arith.constant 1 : i32
    %while3A_40:4 = scf.for %while3A_86 = %while3A_36 to %while3A_32 step %while3A_39 iter_args(%while3A_87 = %while3A_38#0, %while3A_88 = %while3A_38#1, %while3A_89 = %while3A_38#2, %while3A_90 = %while3A_38#3) -> (vector<8x1024xf32>, vector<8x1024xi32>, vector<8x1024xf32>, vector<8x1024xi32>)  : i32 {
      %mul3A_91 = arith.constant 32 : i32
      %mul3A_92 = arith.muli %while3A_86, %mul3A_91 : i32
      %get3A_93 = arith.index_cast %select_n3A_28 : i32 to index
      %get3A_94 = arith.index_cast %mul3A_92 : i32 to index
      %get3A_95 = arith.constant 0 : index
      %get3A_96 = vector.load %arg8[%get3A_93, %get3A_94, %get3A_95] : memref<2x2048x1024xf32, #tpu.memory_space<vmem>>, vector<1x32x1024xf32>
      %get3A_97 = vector.shape_cast %get3A_96 : vector<1x32x1024xf32> to vector<32x1024xf32>
      %slice3A = vector.extract_strided_slice %get3A_97 {offsets = [0, 0], sizes = [8, 1024], strides = [1, 1]} : vector<32x1024xf32> to vector<8x1024xf32>
      %mul3A_98 = arith.constant 32 : i32
      %mul3A_99 = arith.muli %while3A_86, %mul3A_98 : i32
      %add3A_100 = arith.addi %mul3A_30, %mul3A_99 : i32
      %add3A_101 = arith.constant 0 : i32
      %add3A_102 = arith.addi %add3A_100, %add3A_101 : i32
      %add3A_103 = vector.broadcast %add3A_102 : i32 to vector<8x1024xi32>
      %add3A_104 = arith.addi %iota3A, %add3A_103 : vector<8x1024xi32>
      %lt3A_105 = arith.cmpf olt, %slice3A, %while3A_87 : vector<8x1024xf32>
      %lt3A_106 = arith.cmpf olt, %slice3A, %while3A_89 : vector<8x1024xf32>
      %select_n3A_107 = arith.select %lt3A_106, %slice3A, %while3A_89 : vector<8x1024xi1>, vector<8x1024xf32>
      %select_n3A_108 = arith.select %lt3A_106, %add3A_104, %while3A_90 : vector<8x1024xi1>, vector<8x1024xi32>
      %select_n3A_109 = arith.select %lt3A_105, %while3A_87, %select_n3A_107 : vector<8x1024xi1>, vector<8x1024xf32>
      %select_n3A_110 = arith.select %lt3A_105, %while3A_88, %select_n3A_108 : vector<8x1024xi1>, vector<8x1024xi32>
      %select_n3A_111 = arith.select %lt3A_105, %slice3A, %while3A_87 : vector<8x1024xi1>, vector<8x1024xf32>
      %select_n3A_112 = arith.select %lt3A_105, %add3A_104, %while3A_88 : vector<8x1024xi1>, vector<8x1024xi32>
      %slice3A_113 = vector.extract_strided_slice %get3A_97 {offsets = [8, 0], sizes = [8, 1024], strides = [1, 1]} : vector<32x1024xf32> to vector<8x1024xf32>
      %mul3A_114 = arith.constant 32 : i32
      %mul3A_115 = arith.muli %while3A_86, %mul3A_114 : i32
      %add3A_116 = arith.addi %mul3A_30, %mul3A_115 : i32
      %add3A_117 = arith.constant 8 : i32
      %add3A_118 = arith.addi %add3A_116, %add3A_117 : i32
      %add3A_119 = vector.broadcast %add3A_118 : i32 to vector<8x1024xi32>
      %add3A_120 = arith.addi %iota3A, %add3A_119 : vector<8x1024xi32>
      %lt3A_121 = arith.cmpf olt, %slice3A_113, %select_n3A_111 : vector<8x1024xf32>
      %lt3A_122 = arith.cmpf olt, %slice3A_113, %select_n3A_109 : vector<8x1024xf32>
      %select_n3A_123 = arith.select %lt3A_122, %slice3A_113, %select_n3A_109 : vector<8x1024xi1>, vector<8x1024xf32>
      %select_n3A_124 = arith.select %lt3A_122, %add3A_120, %select_n3A_110 : vector<8x1024xi1>, vector<8x1024xi32>
      %select_n3A_125 = arith.select %lt3A_121, %select_n3A_111, %select_n3A_123 : vector<8x1024xi1>, vector<8x1024xf32>
      %select_n3A_126 = arith.select %lt3A_121, %select_n3A_112, %select_n3A_124 : vector<8x1024xi1>, vector<8x1024xi32>
      %select_n3A_127 = arith.select %lt3A_121, %slice3A_113, %select_n3A_111 : vector<8x1024xi1>, vector<8x1024xf32>
      %select_n3A_128 = arith.select %lt3A_121, %add3A_120, %select_n3A_112 : vector<8x1024xi1>, vector<8x1024xi32>
      %slice3A_129 = vector.extract_strided_slice %get3A_97 {offsets = [16, 0], sizes = [8, 1024], strides = [1, 1]} : vector<32x1024xf32> to vector<8x1024xf32>
      %mul3A_130 = arith.constant 32 : i32
      %mul3A_131 = arith.muli %while3A_86, %mul3A_130 : i32
      %add3A_132 = arith.addi %mul3A_30, %mul3A_131 : i32
      %add3A_133 = arith.constant 16 : i32
      %add3A_134 = arith.addi %add3A_132, %add3A_133 : i32
      %add3A_135 = vector.broadcast %add3A_134 : i32 to vector<8x1024xi32>
      %add3A_136 = arith.addi %iota3A, %add3A_135 : vector<8x1024xi32>
      %lt3A_137 = arith.cmpf olt, %slice3A_129, %select_n3A_127 : vector<8x1024xf32>
      %lt3A_138 = arith.cmpf olt, %slice3A_129, %select_n3A_125 : vector<8x1024xf32>
      %select_n3A_139 = arith.select %lt3A_138, %slice3A_129, %select_n3A_125 : vector<8x1024xi1>, vector<8x1024xf32>
      %select_n3A_140 = arith.select %lt3A_138, %add3A_136, %select_n3A_126 : vector<8x1024xi1>, vector<8x1024xi32>
      %select_n3A_141 = arith.select %lt3A_137, %select_n3A_127, %select_n3A_139 : vector<8x1024xi1>, vector<8x1024xf32>
      %select_n3A_142 = arith.select %lt3A_137, %select_n3A_128, %select_n3A_140 : vector<8x1024xi1>, vector<8x1024xi32>
      %select_n3A_143 = arith.select %lt3A_137, %slice3A_129, %select_n3A_127 : vector<8x1024xi1>, vector<8x1024xf32>
      %select_n3A_144 = arith.select %lt3A_137, %add3A_136, %select_n3A_128 : vector<8x1024xi1>, vector<8x1024xi32>
      %slice3A_145 = vector.extract_strided_slice %get3A_97 {offsets = [24, 0], sizes = [8, 1024], strides = [1, 1]} : vector<32x1024xf32> to vector<8x1024xf32>
      %mul3A_146 = arith.constant 32 : i32
      %mul3A_147 = arith.muli %while3A_86, %mul3A_146 : i32
      %add3A_148 = arith.addi %mul3A_30, %mul3A_147 : i32
      %add3A_149 = arith.constant 24 : i32
      %add3A_150 = arith.addi %add3A_148, %add3A_149 : i32
      %add3A_151 = vector.broadcast %add3A_150 : i32 to vector<8x1024xi32>
      %add3A_152 = arith.addi %iota3A, %add3A_151 : vector<8x1024xi32>
      %lt3A_153 = arith.cmpf olt, %slice3A_145, %select_n3A_143 : vector<8x1024xf32>
      %lt3A_154 = arith.cmpf olt, %slice3A_145, %select_n3A_141 : vector<8x1024xf32>
      %select_n3A_155 = arith.select %lt3A_154, %slice3A_145, %select_n3A_141 : vector<8x1024xi1>, vector<8x1024xf32>
      %select_n3A_156 = arith.select %lt3A_154, %add3A_152, %select_n3A_142 : vector<8x1024xi1>, vector<8x1024xi32>
      %select_n3A_157 = arith.select %lt3A_153, %select_n3A_143, %select_n3A_155 : vector<8x1024xi1>, vector<8x1024xf32>
      %select_n3A_158 = arith.select %lt3A_153, %select_n3A_144, %select_n3A_156 : vector<8x1024xi1>, vector<8x1024xi32>
      %select_n3A_159 = arith.select %lt3A_153, %slice3A_145, %select_n3A_143 : vector<8x1024xi1>, vector<8x1024xf32>
      %select_n3A_160 = arith.select %lt3A_153, %add3A_152, %select_n3A_144 : vector<8x1024xi1>, vector<8x1024xi32>
      scf.yield %select_n3A_159, %select_n3A_160, %select_n3A_157, %select_n3A_158 : vector<8x1024xf32>, vector<8x1024xi32>, vector<8x1024xf32>, vector<8x1024xi32>
    }
    %swap3A = arith.constant 0 : index
    %swap3A_41 = arith.constant 0 : index
    %swap3A_42 = vector.load %arg4[%swap3A, %swap3A_41] : memref<8x1024xf32, #tpu.memory_space<vmem>>, vector<8x1024xf32>
    tpu.vector_store %arg4[%swap3A, %swap3A_41], %while3A_40#0 {strides = array<i32>} : memref<8x1024xf32, #tpu.memory_space<vmem>>, vector<8x1024xf32>,
    %swap3A_43 = arith.constant 0 : index
    %swap3A_44 = arith.constant 0 : index
    %swap3A_45 = vector.load %arg5[%swap3A_43, %swap3A_44] : memref<8x1024xi32, #tpu.memory_space<vmem>>, vector<8x1024xi32>
    tpu.vector_store %arg5[%swap3A_43, %swap3A_44], %while3A_40#1 {strides = array<i32>} : memref<8x1024xi32, #tpu.memory_space<vmem>>, vector<8x1024xi32>,
    %swap3A_46 = arith.constant 0 : index
    %swap3A_47 = arith.constant 0 : index
    %swap3A_48 = vector.load %arg6[%swap3A_46, %swap3A_47] : memref<8x1024xf32, #tpu.memory_space<vmem>>, vector<8x1024xf32>
    tpu.vector_store %arg6[%swap3A_46, %swap3A_47], %while3A_40#2 {strides = array<i32>} : memref<8x1024xf32, #tpu.memory_space<vmem>>, vector<8x1024xf32>,
    %swap3A_49 = arith.constant 0 : index
    %swap3A_50 = arith.constant 0 : index
    %swap3A_51 = vector.load %arg7[%swap3A_49, %swap3A_50] : memref<8x1024xi32, #tpu.memory_space<vmem>>, vector<8x1024xi32>
    tpu.vector_store %arg7[%swap3A_49, %swap3A_50], %while3A_40#3 {strides = array<i32>} : memref<8x1024xi32, #tpu.memory_space<vmem>>, vector<8x1024xi32>,
    %get3A_52 = arith.constant 0 : index
    %get3A_53 = arith.constant 0 : index
    %get3A_54 = vector.load %arg1[%get3A_52, %get3A_53] : memref<128x2048xf32, #tpu.memory_space<vmem>>, vector<128x2048xf32>
    %get3A_55 = arith.constant 0 : index
    %get3A_56 = arith.constant 0 : index
    %get3A_57 = vector.load %arg2[%get3A_55, %get3A_56] : memref<1024x128xf32, #tpu.memory_space<vmem>>, vector<1024x128xf32>
    %dot_general3A = arith.constant dense<0.000000e+00> : vector<2048x1024xf32>
    %dot_general3A_58 = tpu.matmul %get3A_54, %get3A_57, %dot_general3A {dimension_numbers = #tpu.dot_dimension_numbers<[0], [1], [1], [0], [0, 1, 1, 0], [], []>, transpose_lhs_hint = false} : vector<128x2048xf32>, vector<1024x128xf32>, vector<2048x1024xf32> -> vector<2048x1024xf32>
    %jit3A_59 = arith.constant 2 : i32
    %eq3A_60 = arith.constant 0 : i32
    %eq3A_61 = arith.cmpi eq, %jit3A_59, %eq3A_60 : i32
    %jit3A_62 = arith.constant 1 : i32
    %select_n3A_63 = arith.select %eq3A_61, %jit3A_62, %jit3A_59 : i32
    %rem3A_64 = arith.remsi %arg0, %select_n3A_63 : i32
    %ne3A_65 = arith.constant 0 : i32
    %ne3A_66 = arith.cmpi ne, %rem3A_64, %ne3A_65 : i32
    %lt3A_67 = arith.constant 0 : i32
    %lt3A_68 = arith.cmpi slt, %rem3A_64, %lt3A_67 : i32
    %lt3A_69 = arith.constant 0 : i32
    %lt3A_70 = arith.cmpi slt, %select_n3A_63, %lt3A_69 : i32
    %ne3A_71 = arith.xori %lt3A_68, %lt3A_70 : i1
    %and3A_72 = arith.andi %ne3A_71, %ne3A_66 : i1
    %add3A_73 = arith.addi %rem3A_64, %select_n3A_63 : i32
    %select_n3A_74 = arith.select %and3A_72, %add3A_73, %rem3A_64 : i32
    %swap3A_75 = arith.index_cast %select_n3A_74 : i32 to index
    %swap3A_76 = arith.constant 0 : index
    %swap3A_77 = arith.constant 0 : index
    %swap3A_78 = vector.load %arg8[%swap3A_75, %swap3A_76, %swap3A_77] : memref<2x2048x1024xf32, #tpu.memory_space<vmem>>, vector<1x2048x1024xf32>
    %swap3A_79 = vector.shape_cast %swap3A_78 : vector<1x2048x1024xf32> to vector<2048x1024xf32>
    %swap3A_80 = vector.shape_cast %dot_general3A_58 : vector<2048x1024xf32> to vector<1x2048x1024xf32>
    tpu.vector_store %arg8[%swap3A_75, %swap3A_76, %swap3A_77], %swap3A_80 {strides = array<i32>} : memref<2x2048x1024xf32, #tpu.memory_space<vmem>>, vector<1x2048x1024xf32>,
    %eq3A_81 = arith.constant 49 : i32
    %eq3A_82 = arith.cmpi eq, %arg0, %eq3A_81 : i32
    %convert_element_type3A_83 = arith.extui %eq3A_82 : i1 to i32
    %cond3A_84 = arith.constant 0 : i32
    %cond3A_85 = arith.cmpi ne, %convert_element_type3A_83, %cond3A_84 : i32
    scf.if %cond3A_85 {
      %slice3A = vector.extract_strided_slice %while3A_40#0 {offsets = [0, 0], sizes = [4, 1024], strides = [1, 1]} : vector<8x1024xf32> to vector<4x1024xf32>
      %slice3A_86 = vector.extract_strided_slice %while3A_40#1 {offsets = [0, 0], sizes = [4, 1024], strides = [1, 1]} : vector<8x1024xi32> to vector<4x1024xi32>
      %slice3A_87 = vector.extract_strided_slice %while3A_40#2 {offsets = [0, 0], sizes = [4, 1024], strides = [1, 1]} : vector<8x1024xf32> to vector<4x1024xf32>
      %slice3A_88 = vector.extract_strided_slice %while3A_40#3 {offsets = [0, 0], sizes = [4, 1024], strides = [1, 1]} : vector<8x1024xi32> to vector<4x1024xi32>
      %slice3A_89 = vector.extract_strided_slice %while3A_40#0 {offsets = [4, 0], sizes = [4, 1024], strides = [1, 1]} : vector<8x1024xf32> to vector<4x1024xf32>
      %slice3A_90 = vector.extract_strided_slice %while3A_40#1 {offsets = [4, 0], sizes = [4, 1024], strides = [1, 1]} : vector<8x1024xi32> to vector<4x1024xi32>
      %slice3A_91 = vector.extract_strided_slice %while3A_40#2 {offsets = [4, 0], sizes = [4, 1024], strides = [1, 1]} : vector<8x1024xf32> to vector<4x1024xf32>
      %slice3A_92 = vector.extract_strided_slice %while3A_40#3 {offsets = [4, 0], sizes = [4, 1024], strides = [1, 1]} : vector<8x1024xi32> to vector<4x1024xi32>
      %lt3A_93 = arith.cmpf olt, %slice3A, %slice3A_89 : vector<4x1024xf32>
      %eq3A_94 = arith.cmpf oeq, %slice3A, %slice3A_89 : vector<4x1024xf32>
      %lt3A_95 = arith.cmpi slt, %slice3A_86, %slice3A_90 : vector<4x1024xi32>
      %and3A_96 = arith.andi %eq3A_94, %lt3A_95 : vector<4x1024xi1>
      %or3A = arith.ori %lt3A_93, %and3A_96 : vector<4x1024xi1>
      %select_n3A_97 = arith.select %or3A, %slice3A, %slice3A_89 : vector<4x1024xi1>, vector<4x1024xf32>
      %select_n3A_98 = arith.select %or3A, %slice3A_86, %slice3A_90 : vector<4x1024xi1>, vector<4x1024xi32>
      %select_n3A_99 = arith.select %or3A, %slice3A_89, %slice3A : vector<4x1024xi1>, vector<4x1024xf32>
      %select_n3A_100 = arith.select %or3A, %slice3A_90, %slice3A_86 : vector<4x1024xi1>, vector<4x1024xi32>
      %select_n3A_101 = arith.select %or3A, %slice3A_87, %slice3A_91 : vector<4x1024xi1>, vector<4x1024xf32>
      %select_n3A_102 = arith.select %or3A, %slice3A_88, %slice3A_92 : vector<4x1024xi1>, vector<4x1024xi32>
      %lt3A_103 = arith.cmpf olt, %select_n3A_99, %select_n3A_101 : vector<4x1024xf32>
      %eq3A_104 = arith.cmpf oeq, %select_n3A_99, %select_n3A_101 : vector<4x1024xf32>
      %lt3A_105 = arith.cmpi slt, %select_n3A_100, %select_n3A_102 : vector<4x1024xi32>
      %and3A_106 = arith.andi %eq3A_104, %lt3A_105 : vector<4x1024xi1>
      %or3A_107 = arith.ori %lt3A_103, %and3A_106 : vector<4x1024xi1>
      %select_n3A_108 = arith.select %or3A_107, %select_n3A_99, %select_n3A_101 : vector<4x1024xi1>, vector<4x1024xf32>
      %select_n3A_109 = arith.select %or3A_107, %select_n3A_100, %select_n3A_102 : vector<4x1024xi1>, vector<4x1024xi32>
      %slice3A_110 = vector.extract_strided_slice %select_n3A_97 {offsets = [0, 0], sizes = [2, 1024], strides = [1, 1]} : vector<4x1024xf32> to vector<2x1024xf32>
      %slice3A_111 = vector.extract_strided_slice %select_n3A_98 {offsets = [0, 0], sizes = [2, 1024], strides = [1, 1]} : vector<4x1024xi32> to vector<2x1024xi32>
      %slice3A_112 = vector.extract_strided_slice %select_n3A_108 {offsets = [0, 0], sizes = [2, 1024], strides = [1, 1]} : vector<4x1024xf32> to vector<2x1024xf32>
      %slice3A_113 = vector.extract_strided_slice %select_n3A_109 {offsets = [0, 0], sizes = [2, 1024], strides = [1, 1]} : vector<4x1024xi32> to vector<2x1024xi32>
      %slice3A_114 = vector.extract_strided_slice %select_n3A_97 {offsets = [2, 0], sizes = [2, 1024], strides = [1, 1]} : vector<4x1024xf32> to vector<2x1024xf32>
      %slice3A_115 = vector.extract_strided_slice %select_n3A_98 {offsets = [2, 0], sizes = [2, 1024], strides = [1, 1]} : vector<4x1024xi32> to vector<2x1024xi32>
      %slice3A_116 = vector.extract_strided_slice %select_n3A_108 {offsets = [2, 0], sizes = [2, 1024], strides = [1, 1]} : vector<4x1024xf32> to vector<2x1024xf32>
      %slice3A_117 = vector.extract_strided_slice %select_n3A_109 {offsets = [2, 0], sizes = [2, 1024], strides = [1, 1]} : vector<4x1024xi32> to vector<2x1024xi32>
      %lt3A_118 = arith.cmpf olt, %slice3A_110, %slice3A_114 : vector<2x1024xf32>
      %eq3A_119 = arith.cmpf oeq, %slice3A_110, %slice3A_114 : vector<2x1024xf32>
      %lt3A_120 = arith.cmpi slt, %slice3A_111, %slice3A_115 : vector<2x1024xi32>
      %and3A_121 = arith.andi %eq3A_119, %lt3A_120 : vector<2x1024xi1>
      %or3A_122 = arith.ori %lt3A_118, %and3A_121 : vector<2x1024xi1>
      %select_n3A_123 = arith.select %or3A_122, %slice3A_110, %slice3A_114 : vector<2x1024xi1>, vector<2x1024xf32>
      %select_n3A_124 = arith.select %or3A_122, %slice3A_111, %slice3A_115 : vector<2x1024xi1>, vector<2x1024xi32>
      %select_n3A_125 = arith.select %or3A_122, %slice3A_114, %slice3A_110 : vector<2x1024xi1>, vector<2x1024xf32>
      %select_n3A_126 = arith.select %or3A_122, %slice3A_115, %slice3A_111 : vector<2x1024xi1>, vector<2x1024xi32>
      %select_n3A_127 = arith.select %or3A_122, %slice3A_112, %slice3A_116 : vector<2x1024xi1>, vector<2x1024xf32>
      %select_n3A_128 = arith.select %or3A_122, %slice3A_113, %slice3A_117 : vector<2x1024xi1>, vector<2x1024xi32>
      %lt3A_129 = arith.cmpf olt, %select_n3A_125, %select_n3A_127 : vector<2x1024xf32>
      %eq3A_130 = arith.cmpf oeq, %select_n3A_125, %select_n3A_127 : vector<2x1024xf32>
      %lt3A_131 = arith.cmpi slt, %select_n3A_126, %select_n3A_128 : vector<2x1024xi32>
      %and3A_132 = arith.andi %eq3A_130, %lt3A_131 : vector<2x1024xi1>
      %or3A_133 = arith.ori %lt3A_129, %and3A_132 : vector<2x1024xi1>
      %select_n3A_134 = arith.select %or3A_133, %select_n3A_125, %select_n3A_127 : vector<2x1024xi1>, vector<2x1024xf32>
      %select_n3A_135 = arith.select %or3A_133, %select_n3A_126, %select_n3A_128 : vector<2x1024xi1>, vector<2x1024xi32>
      %slice3A_136 = vector.extract_strided_slice %select_n3A_123 {offsets = [0, 0], sizes = [1, 1024], strides = [1, 1]} : vector<2x1024xf32> to vector<1x1024xf32>
      %slice3A_137 = vector.extract_strided_slice %select_n3A_124 {offsets = [0, 0], sizes = [1, 1024], strides = [1, 1]} : vector<2x1024xi32> to vector<1x1024xi32>
      %slice3A_138 = vector.extract_strided_slice %select_n3A_134 {offsets = [0, 0], sizes = [1, 1024], strides = [1, 1]} : vector<2x1024xf32> to vector<1x1024xf32>
      %slice3A_139 = vector.extract_strided_slice %select_n3A_135 {offsets = [0, 0], sizes = [1, 1024], strides = [1, 1]} : vector<2x1024xi32> to vector<1x1024xi32>
      %slice3A_140 = vector.extract_strided_slice %select_n3A_123 {offsets = [1, 0], sizes = [1, 1024], strides = [1, 1]} : vector<2x1024xf32> to vector<1x1024xf32>
      %slice3A_141 = vector.extract_strided_slice %select_n3A_124 {offsets = [1, 0], sizes = [1, 1024], strides = [1, 1]} : vector<2x1024xi32> to vector<1x1024xi32>
      %slice3A_142 = vector.extract_strided_slice %select_n3A_134 {offsets = [1, 0], sizes = [1, 1024], strides = [1, 1]} : vector<2x1024xf32> to vector<1x1024xf32>
      %slice3A_143 = vector.extract_strided_slice %select_n3A_135 {offsets = [1, 0], sizes = [1, 1024], strides = [1, 1]} : vector<2x1024xi32> to vector<1x1024xi32>
      %lt3A_144 = arith.cmpf olt, %slice3A_136, %slice3A_140 : vector<1x1024xf32>
      %eq3A_145 = arith.cmpf oeq, %slice3A_136, %slice3A_140 : vector<1x1024xf32>
      %lt3A_146 = arith.cmpi slt, %slice3A_137, %slice3A_141 : vector<1x1024xi32>
      %and3A_147 = arith.andi %eq3A_145, %lt3A_146 : vector<1x1024xi1>
      %or3A_148 = arith.ori %lt3A_144, %and3A_147 : vector<1x1024xi1>
      %select_n3A_149 = arith.select %or3A_148, %slice3A_140, %slice3A_136 : vector<1x1024xi1>, vector<1x1024xf32>
      %select_n3A_150 = arith.select %or3A_148, %slice3A_141, %slice3A_137 : vector<1x1024xi1>, vector<1x1024xi32>
      %select_n3A_151 = arith.select %or3A_148, %slice3A_138, %slice3A_142 : vector<1x1024xi1>, vector<1x1024xf32>
      %select_n3A_152 = arith.select %or3A_148, %slice3A_139, %slice3A_143 : vector<1x1024xi1>, vector<1x1024xi32>
      %lt3A_153 = arith.cmpf olt, %select_n3A_149, %select_n3A_151 : vector<1x1024xf32>
      %eq3A_154 = arith.cmpf oeq, %select_n3A_149, %select_n3A_151 : vector<1x1024xf32>
      %lt3A_155 = arith.cmpi slt, %select_n3A_150, %select_n3A_152 : vector<1x1024xi32>
      %and3A_156 = arith.andi %eq3A_154, %lt3A_155 : vector<1x1024xi1>
      %or3A_157 = arith.ori %lt3A_153, %and3A_156 : vector<1x1024xi1>
      %select_n3A_158 = arith.select %or3A_157, %select_n3A_150, %select_n3A_152 : vector<1x1024xi1>, vector<1x1024xi32>
      %swap3A_159 = arith.constant 0 : index
      %swap3A_160 = arith.constant 0 : index
      %swap3A_161 = vector.load %arg3[%swap3A_159, %swap3A_160] : memref<1x1024xi32, #tpu.memory_space<vmem>>, vector<1x1024xi32>
      tpu.vector_store %arg3[%swap3A_159, %swap3A_160], %select_n3A_158 {strides = array<i32>} : memref<1x1024xi32, #tpu.memory_space<vmem>>, vector<1x1024xi32>,
    } else {
    }
    return
  }
  func.func @transform_0(%arg0: i32) -> (i32, i32) {
    %min3A = arith.constant 48 : i32
    %min3A_0 = arith.minsi %arg0, %min3A : i32
    %c0_i32 = arith.constant 0 : i32
    %c0_i32_1 = arith.constant 0 : i32
    return %c0_i32, %min3A_0 : i32, i32
  }
  func.func @transform_1(%arg0: i32) -> (i32, i32) {
    %c0_i32 = arith.constant 0 : i32
    %c0_i32_0 = arith.constant 0 : i32
    %c0_i32_1 = arith.constant 0 : i32
    return %c0_i32, %c0_i32_0 : i32, i32
  }
  func.func @transform_2(%arg0: i32) -> (i32, i32) {
    %c0_i32 = arith.constant 0 : i32
    %c0_i32_0 = arith.constant 0 : i32
    %c0_i32_1 = arith.constant 0 : i32
    return %c0_i32, %c0_i32_0 : i32, i32
  }
}

</mosaic_0001>

<sc_bundles>
// kernel: kernel.4.cloned.1.call-start
scs
__scs_entry_jumppad:
0x0: {  	(pc) =	sbr.rel $0x88, $3  }
0x1: {  	(tag) =	ssettag $0x0;
	lr =	simm.s32 $0x1  }
0x2: {  	[smem:$0x3F9E] =	sst lr;
	_ =	strace $0xD0000000  }
0x3: {  	_ = 	snop  }
0x4: {  	_ = 	snop  }
0x5: {  	_ = 	snop  }
0x6: {  	_ = 	snop  }
0x7: {  	_ = 	snop  }
__scs_overlays_trampoline_lowered:
0x8: {  	[smem:$0x3FAD] =	sst s0  }
0x9: {  	[smem:$0x3FAE] =	sst s1  }
0xa: {  	[smem:$0x3FAF] =	sst s2  }
0xb: {  	[smem:$0x3FB0] =	sst s3  }
0xc: {  	[smem:$0x3FB1] =	sst s4  }
0xd: {  	[smem:$0x3FB2] =	sst s5  }
0xe: {  	[smem:$0x3FB3] =	sst s6  }
0xf: {  	[smem:$0x3FB4] =	sst s7  }
0x10: {  	[smem:$0x3FB5] =	sst s8  }
0x11: {  	[smem:$0x3FB6] =	sst s9;
	s0 =	simm.s32 @!p0 $0x0  }
0x12: {  	s1 =	sld [smem:$0x3F9C];
	s0 =	simm.s32 @p0 $0x1  }
0x13: {  	[smem:$0x3FB7] =	sst s0;
	s0 =	simm.s32 @!p1 $0x0  }
0x14: {  	s2 =	sld [smem:$0x3F9B];
	s0 =	simm.s32 @p1 $0x1  }
0x15: {  	[smem:$0x3FB8] =	sst s0;
	s0 =	simm.s32 @!p2 $0x0  }
0x16: {  	s3 =	sld [smem:$0x3FDB];
	s0 =	simm.s32 @p2 $0x1  }
0x17: {  	s4 =	simm.s32 $0x1BF5;
	[smem:$0x3FBA] =	sst s0  }
0x18: {  	s0 =	sld [smem:$0x3F9D];
	_ =	swait.ge [sflag:s4], $0x0  }
0x19: {  	s7 =	sld [smem:$0x3F9E]  }
0x1a: {  	s8 =	sadd.s32 $0xFFFFE003, lr  }
0x1b: {  	s9 =	sadd.s32 $0xFFFFFEF7, lr;
	s5 =	simm.s32 $0xFFFFFFFF;
	p2 =	slt.u32 s8, $0xFFFFF086  }
0x1c: {  	p1 =	slt.u32 s9, $0xF7A;
	s5 =	simm.s32 @!p2 $0x0  }
0x1d: {  	s5 =	simm.s32 @p1 $0x1;
	p0 =	seq.s32 s7, s2  }
0x1e: {  	s7 =	smul.u32 @!p0 $0xF7A, s2;
	p2 =	seq.s32 @!p0 s5, $0x0  }
0x1f: {  	s9 =	smul.u32 $0xF7A, s1;
	s8 =	simm.s32 @!p0 $0x1BF5;
	p2 =	por !p2, p0  }
0x20: {  	[sflag:s8] =	ssyncset.s32 @!p0 $0xFFFFF086;
	s6 =	sadd.s32 @!p0 s3, s7;
	s7 =	simm.s32 @!p0 $0x108  }
0x21: {  	s3 =	sadd.s32 s3, s9;
	s6 =	sadd.s32 @!p0 $0x88, s6;
	s7 =	simm.s32 @p2 $0x1082  }
0x22: {  	[simem:s7], [sflag:s8] =	dma.local @!p0 [hbm:s6], $0xF7A  }
0x23: {  	s9 =	sor.u32 $0xD0000000, s2;
	s6 =	simm.s32 $0x108;
	_ =	swait.ge @!p0 [sflag:s8], $0x0  }
0x24: {  	s3 =	sadd.s32 $0x88, s3;
	s6 =	simm.s32 @!p1 $0x1082;
	[sflag:s4] =	ssyncset.s32 $0xFFFFF086  }
0x25: {  	[simem:s6], [sflag:s4] =	dma.local [hbm:s3], $0xF7A  }
0x26: {  	[smem:$0x3F9E] =	sst s1;
	(tag) =	ssettag s2;
	_ =	strace s9  }
0x27: {  	s1 =	sld [smem:$0x3FAE]  }
0x28: {  	s2 =	sld [smem:$0x3FAF]  }
0x29: {  	s4 =	sld [smem:$0x3FB1]  }
0x2a: {  	p0 =	seq.s32 s5, $0x0;
	s5 =	sld [smem:$0x3FB2]  }
0x2b: {  	s6 =	sld [smem:$0x3FB3]  }
0x2c: {  	s7 =	sld [smem:$0x3FB4]  }
0x2d: {  	s3 =	simm.s32 $0x108;
	s8 =	sld [smem:$0x3FB5]  }
0x2e: {  	s3 =	simm.s32 @!p0 $0x1082;
	s9 =	sld [smem:$0x3FB6]  }
0x2f: {  	lr =	sadd.s32 s0, s3;
	s0 =	sld [smem:$0x3FAD]  }
0x30: {  	s3 =	sld [smem:$0x3FB0]  }
0x31: {  	[smem:$0x3FB9] =	sst s10  }
0x32: {  	s10 =	sld [smem:$0x3FB7];
	_ =	sdelay $0x3  }
0x33: {  	p0 =	seq.s32 s10, $0x1;
	s10 =	sld [smem:$0x3FB9];
	_ =	sdelay $0x3  }
0x34: {  	[smem:$0x3FB9] =	sst s10  }
0x35: {  	s10 =	sld [smem:$0x3FB8];
	_ =	sdelay $0x3  }
0x36: {  	p1 =	seq.s32 s10, $0x1;
	s10 =	sld [smem:$0x3FB9];
	_ =	sdelay $0x3  }
0x37: {  	[smem:$0x3FB9] =	sst s10  }
0x38: {  	s10 =	sld [smem:$0x3FBA]  }
0x39: {  	_ = 	snop;
	(pc) =	sbr.ind lr, $3  }
0x3a: {  	_ = 	snop  }
0x3b: {  	_ = 	snop  }
0x3c: {  	p2 =	seq.s32 s10, $0x1;
	s10 =	sld [smem:$0x3FB9]  }
0x3d: {  	_ =	shalt  }
0x3e: {  	_ =	shalt  }
0x3f: {  	_ =	shalt  }
0x40: {  	_ =	shalt  }
0x41: {  	_ =	shalt  }
0x42: {  	_ =	shalt  }
0x43: {  	_ =	shalt  }
0x44: {  	_ =	shalt  }
0x45: {  	_ =	shalt  }
0x46: {  	_ =	shalt  }
0x47: {  	_ =	shalt  }
0x48: {  	_ =	shalt  }
0x49: {  	_ =	shalt  }
0x4a: {  	_ =	shalt  }
0x4b: {  	_ =	shalt  }
0x4c: {  	_ =	shalt  }
0x4d: {  	_ =	shalt  }
0x4e: {  	_ =	shalt  }
0x4f: {  	_ =	shalt  }
0x50: {  	_ =	shalt  }
0x51: {  	_ =	shalt  }
0x52: {  	_ =	shalt  }
0x53: {  	_ =	shalt  }
0x54: {  	_ =	shalt  }
0x55: {  	_ =	shalt  }
0x56: {  	_ =	shalt  }
0x57: {  	_ =	shalt  }
0x58: {  	_ =	shalt  }
0x59: {  	_ =	shalt  }
0x5a: {  	_ =	shalt  }
0x5b: {  	_ =	shalt  }
0x5c: {  	_ =	shalt  }
0x5d: {  	_ =	shalt  }
0x5e: {  	_ =	shalt  }
0x5f: {  	_ =	shalt  }
0x60: {  	_ =	shalt  }
0x61: {  	_ =	shalt  }
0x62: {  	_ =	shalt  }
0x63: {  	_ =	shalt  }
0x64: {  	_ =	shalt  }
0x65: {  	_ =	shalt  }
0x66: {  	_ =	shalt  }
0x67: {  	_ =	shalt  }
0x68: {  	_ =	shalt  }
0x69: {  	_ =	shalt  }
0x6a: {  	_ =	shalt  }
0x6b: {  	_ =	shalt  }
0x6c: {  	_ =	shalt  }
0x6d: {  	_ =	shalt  }
0x6e: {  	_ =	shalt  }
0x6f: {  	_ =	shalt  }
0x70: {  	_ =	shalt  }
0x71: {  	_ =	shalt  }
0x72: {  	_ =	shalt  }
0x73: {  	_ =	shalt  }
0x74: {  	_ =	shalt  }
0x75: {  	_ =	shalt  }
0x76: {  	_ =	shalt  }
0x77: {  	_ =	shalt  }
0x78: {  	_ =	shalt  }
0x79: {  	_ =	shalt  }
0x7a: {  	_ =	shalt  }
0x7b: {  	_ =	shalt  }
0x7c: {  	_ =	shalt  }
0x7d: {  	_ =	shalt  }
0x7e: {  	_ =	shalt  }
0x7f: {  	_ =	shalt  }
0x80: {  	_ =	shalt  }
0x81: {  	_ =	shalt  }
0x82: {  	_ =	shalt  }
0x83: {  	_ =	shalt  }
0x84: {  	_ =	shalt  }
0x85: {  	_ =	shalt  }
0x86: {  	_ =	shalt  }
0x87: {  	_ =	shalt  }
.Lfunc_end0:
.L_simem_size_0:
called_computation_lowered:
.L_overlay_start_0:
0x88: {  	s2 =	sld [smem:$0x3FD9]  }
0x89: {  	s3 =	sld [smem:$0x3FFE];
	_ =	sdelay $0x1  }
0x8a: {  	s1 =	srdreg.scid  }
0x8b: {  	s0 =	sand.u32 $0x1, s1  }
0x8c: {  	s17 =	sshll.u32 s0, $0xA;
	s2 =	sadd.s32 s3, s2  }
0x8d: {  	s2 =	sadd.s32 s2, s17  }
0x8e: {  	[smem:$0x3FC5] =	sst s2  }
0x8f: {  	_ = 	snop  }
0x90: {  	s2 =	sld [smem:$0x3FD0];
	(tm) =	ssettm $0x1  }
0x91: {  	s18 =	sld [smem:$0x3FFB];
	_ =	sdelay $0x3  }
0x92: {  	_ =	strace s18  }
0x93: {  	s3 =	sld [smem:$0x3FFC];
	_ =	sdelay $0x3  }
0x94: {  	_ =	strace s3  }
0x95: {  	s3 =	sld [smem:$0x3FFD];
	_ =	sdelay $0x3  }
0x96: {  	_ =	strace s3  }
0x97: {  	_ =	strace $0x8FFFFFFF  }
0x98: {  	s19 =	sld [smem:$0x3FDB];
	_ =	sdelay $0x1  }
0x99: {  	s4 =	simm.s32 $_scs_section_size  }
0x9a: {  	s5 =	simm.s32 $_size__tile_overlayer_lowered;
	s6 =	simm.s32 $_tile_overlayer_lowered  }
0x9b: {  	s22 =	simm.s32 $0x1BFF;
	s21 =	sshll.u32 s6, $0x1;
	s3 =	sadd.s32 s4, s19  }
0x9c: {  	s7 =	simm.s32 $0x0;
	s20 =	sshll.u32 s5, $0x1;
	s5 =	sadd.s32 s21, s3  }
0x9d: {  	[timem:s7], [sflag:s22] =	dma.local [hbm:s5], s20  }
0x9e: {  	_ =	swait.ge [sflag:s22], s20  }
0x9f: {  	s4 =	ssub.s32 $0x0, s20;
	[sflag:s22] =	ssyncset.done $0x0  }
0xa0: {  	[sflag:s22] =	ssyncadd.s32 s4;
	_ =	sdelay $0x1  }
0xa1: {  	s23 =	simm.s32 $0x1B8B  }
0xa2: {  	_ =	swait.ge [sflag:s23], $0x1  }
0xa3: {  	[sflag:s23] =	ssyncset.done $0x0  }
0xa4: {  	s25 =	simm.s32 $0x1B8E;
	s24 =	sld [smem:$0x3FFE];
	[sflag:s23] =	ssyncadd.s32 $0xFFFFFFFF  }
0xa5: {  	s26 =	simm.s32 $execute0_lowered;
	[smem:$0x3FD2] =	sst s25  }
0xa6: {  	s5 =	sshll.u32 s26, $0x1;
	_ =	strace $0x80000046;
	[dreg:$0x1] =	wrdreg $0xFFFFFFFF  }
0xa7: {  	s28 =	simm.s32 $_size_execute0_lowered;
	s3 =	sadd.s32 s3, s5;
	[dreg:$0x0] =	wrdreg $0x0  }
0xa8: {  	s5 =	sshll.u32 s28, $0x1;
	[dreg:$0x2] =	wrdreg s3  }
0xa9: {  	[dreg:$0x3] =	wrdreg s5  }
0xaa: {  	[dreg:$0x4] =	wrdreg $0xC0  }
0xab: {  	_ =	task [dreg:s7], $0x5FFFF  }
0xac: {  	[dreg:$0x1] =	wrdreg $0xFFFFFFFF  }
0xad: {  	[dreg:$0x0] =	wrdreg $0x60  }
0xae: {  	[dreg:$0x2] =	wrdreg s24  }
0xaf: {  	[dreg:$0x3] =	wrdreg s2  }
0xb0: {  	[dreg:$0x4] =	wrdreg $0x9  }
0xb1: {  	_ =	task.clear_ibuf [dreg:s7], $0x5FFFF;
	_ =	strace $0x90000046  }
0xb2: {  	s29 =	simm.s32 $0x9;
	_ =	strace $0x80000048  }
0xb3: {  	_ =	swait.ge [sflag:s29], $0x1  }
0xb4: {  	[sflag:s29] =	ssyncadd.s32 $0xFFFFFFFF  }
0xb5: {  	_ =	strace $0x90000048  }
0xb6: {  	_ =	sfence  }
0xb7: {  	s30 =	sld [smem:$0x0];
	_ =	sdelay $0x2  }
0xb8: {  	s31 =	sshll.u32 s1, $0xD;
	s1 =	sshrl.u32 s1, $0x2  }
0xb9: {  	s3 =	sand.u32 $0x4000, s31;
	s1 =	sadd.s32 s1, s30  }
0xba: {  	s0 =	sor.u32 s3, s0;
	s1 =	sshll.u32 s1, $0x11  }
0xbb: {  	s0 =	sor.u32 s1, s0  }
0xbc: {  	s0 =	sadd.s32 $0x8F2B, s0  }
0xbd: {  	[sflag:s0] =	ssyncadd.remote.s32 $0x1  }
0xbe: {  	_ =	sfence.sel $0xFFFF  }
0xbf: {  	[dreg:$0x0] =	wrdreg $0xFFFFFFFF;
	(pc) =	sbr.abs _section_cstart, $3  }
0xc0: {  	[dreg:$0x1] =	wrdreg $0xFFFFFFFF  }
0xc1: {  	_ =	task.clear_ibuf [dreg:s7], $0x2FFFF;
	_ =	strace $0x9FFFFFFF  }
0xc2: {  	(tm) =	ssettm $0x7FFFFFFF  }
0xc3: {  	_ =	shalt  }
tec
execute0_lowered:
.L_overlay_start_1:
0x0: {  	(tag) =	ssettag $0x1  }
0x1: {  	s4 =	rddreg [dreg:$0x0]  }
0x2: {  	s6 =	rddreg [dreg:$0x1]  }
0x3: {  	s0 =	rddreg [dreg:$0x2];
	s2 =	simm.s32 $0x0;
	s3 =	srdreg.scid  }
0x4: {  	s1 =	stileid.u32;
	s11 =	simm.s32 $0x1;
	s12 =	simm.s32 $0x6080  }
0x5: {  	s13 =	simm.s32 $0x0;
	s5 =	sand.u32 $0x1, s3;
	s31 =	sshll.u32 s1, $0x1  }
0x6: {  	[smem:$0x7FF] =	sst s2;
	s3 =	sadd.s32 $0x187A00, s4;
	s7 =	sor.u32 s5, s31  }
0x7: {  	_ =	strace $0x80000047;
	s5 =	ssub.s32 $0x2, s5;
	s8 =	sshll.u32 s7, $0x2  }
0x8: {  	s7 =	sshll.u32 s7, $0xB;
	s10 =	sshrl.u32 s5, $0x1;
	s9 =	sadd.s32 s8, s4  }
0x9: {  	s7 =	sadd.s32 s7, s4;
	s10 =	ssub.s32 s5, s10;
	s6 =	sadd.s32 s6, s8  }
0xa: {  	s8 =	simm.s32 $0x2;
	s4 =	sadd.s32 $0xA00, s9;
	s5 =	sadd.s32 $0xC00, s7  }
0xb: {  	s7 =	smax.u32 s10, $0x1;
	s9 =	simm.s32 $0x2080;
	s10 =	simm.s32 $0x80  }
.LBB2_1:
0xc: {  	[tilespmem:s2], [sflag:$0x2] =	stream.linear.gather [hbm4b:s4+s2], $0x20, $0x38;
	[tilespmem:$0x6100] =	vst v63  }
0xd: {  	_ =	swait.ge [sflag:s8], $0x20  }
0xe: {  	[sflag:s8] =	ssyncset.done $0x0  }
0xf: {  	[sflag:s8] =	ssyncadd.s32 $0xFFFFFFE0  }
0x10: {  	[tilespmem:s9], [sflag:$0x2] =	stream.linear.gather [hbm4b:s5+s2], $0x4000, $0x38;
	[tilespmem:$0x6100] =	vst v63  }
0x11: {  	_ =	swait.ge [sflag:s8], $0x4000  }
0x12: {  	[sflag:s8] =	ssyncset.done $0x0  }
0x13: {  	[sflag:s8] =	ssyncadd.s32 $0xFFFFC000  }
0x14: {  	v0 =	vld [tilespmem:$0x10]  }
0x15: {  	v1 =	vld [tilespmem:$0x0];
	_ =	sdelay $0x2  }
0x16: {  	s15 =	simm.s32 $0x30D40  }
0x17: {  	s14 =	simm.s32 $0xC0;
	s16 =	simm.s32 $0x0;
	v2 =	vadd.s32 s15, v0  }
0x18: {  	v3 =	vadd.s32 s16, v1;
	[tilespmem:s14+$0x10] =	vst v2  }
0x19: {  	[tilespmem:s14+$0xFFFFFFC0] =	vst v3;
	v2 =	vadd.s32 s16, v0  }
0x1a: {  	s31 =	simm.s32 $0x186A0;
	v3 =	vadd.s32 s15, v1;
	[tilespmem:s14+$0xFFFFFFD0] =	vst v2  }
0x1b: {  	v2 =	vadd.s32 s31, v1;
	[tilespmem:s14+$0x0] =	vst v3  }
0x1c: {  	s18 =	simm.s32 $0x493E0;
	[tilespmem:s14+$0xFFFFFFE0] =	vst v2;
	v2 =	vadd.s32 s31, v0  }
0x1d: {  	[tilespmem:s14+$0xFFFFFFF0] =	vst v2;
	v2 =	vadd.s32 s18, v1  }
0x1e: {  	s17 =	simm.s32 $0x927C0;
	s15 =	simm.s32 $0xAAE60;
	s16 =	simm.s32 $0x10C8E0;
	[tilespmem:s14+$0x20] =	vst v2;
	v2 =	vadd.s32 s18, v0  }
.LBB2_2:
0x1f: {  	p0 =	sne.s32 s16, $0xC1C960;
	s18 =	sadd.s32 $0xFFFB6C20, s15;
	v3 =	vadd.s32 s17, v1;
	v4 =	vadd.s32 s17, v0;
	[tilespmem:s14+$0x30] =	vst v2;
	s14 =	sadd.s32 $0x80, s14  }
0x20: {  	v2 =	vadd.s32 s18, v1;
	[tilespmem:s14+$0x10] =	vst v4  }
0x21: {  	s17 =	sadd.s32 $0xFFFCF2C0, s15;
	[tilespmem:s14+$0xFFFFFFC0] =	vst v2;
	v2 =	vadd.s32 s18, v0  }
.Ltmp0:
0x22: {  	[tilespmem:s14+$0xFFFFFFD0] =	vst v2;
	v2 =	vadd.s32 s17, v1;
	(pc) =	sbr.rel @p0 .LBB2_2-.Ltmp0, $4  }
0x23: {  	[tilespmem:s14+$0xFFFFFFE0] =	vst v2;
	v2 =	vadd.s32 s17, v0  }
0x24: {  	[tilespmem:s14+$0xFFFFFFF0] =	vst v2  }
0x25: {  	v2 =	vadd.s32 s15, v1;
	[tilespmem:s14+$0x0] =	vst v3  }
0x26: {  	s17 =	sadd.s32 $0xFFFE7960, s16;
	[tilespmem:s14+$0x20] =	vst v2;
	v2 =	vadd.s32 s15, v0;
	s15 =	smov.u32 s16;
	s16 =	sadd.s32 $0x61A80, s16  }
0x27: {  	v3 =	vadd.s32 s17, v0;
	[tilespmem:s14+$0x30] =	vst v2;
	s30 =	sadd.s32 $0x80, s14  }
0x28: {  	v61 =	vadd.s32 s17, v1;
	[tilespmem:s30+$0x10] =	vst v3  }
0x29: {  	v62 =	vadd.s32 s15, v1;
	[tilespmem:s30+$0x0] =	vst v61  }
0x2a: {  	s16 =	sadd.s32 $0xFFFB6C20, s15;
	v63 =	vadd.s32 s15, v0;
	[tilespmem:s30+$0x20] =	vst v62  }
0x2b: {  	v57 =	vadd.s32 s16, v1;
	[tilespmem:s30+$0x30] =	vst v63  }
0x2c: {  	s31 =	sadd.s32 $0xFFFCF2C0, s15;
	v58 =	vadd.s32 s16, v0;
	[tilespmem:s30+$0xFFFFFFC0] =	vst v57  }
0x2d: {  	v59 =	vadd.s32 s31, v1;
	[tilespmem:s30+$0xFFFFFFD0] =	vst v58  }
0x2e: {  	v60 =	vadd.s32 s31, v0;
	[tilespmem:s30+$0xFFFFFFE0] =	vst v59  }
0x2f: {  	s14 =	simm.s32 $0x200;
	s15 =	simm.s32 $0x1080;
	s16 =	simm.s32 $0x80;
	[tilespmem:s30+$0xFFFFFFF0] =	vst v60  }
.LBB2_4:
0x30: {  	[tilespmem:s15], [sflag:$0x1] =	stream.indirect.gather [hbm4b:s3+s10], $0x1, s16, s10, $0xb8;
	[tilespmem:$0x6100] =	vst v63  }
0x31: {  	s15 =	smov.u32 s14;
	p0 =	sne.s32 s14, $0x3E00  }
.Ltmp1:
0x32: {  	s14 =	sadd.s32 $0x200, s14;
	(pc) =	sbr.rel @p0 .LBB2_4-.Ltmp1, $3  }
0x33: {  	_ =	sdelay $0x1  }
0x34: {  	s16 =	sshra.s32 s15, $0x2  }
0x35: {  	s15 =	sadd.s32 $0x1080, s16;
	s16 =	sadd.s32 $0x80, s16  }
0x36: {  	[tilespmem:s15], [sflag:$0x1] =	stream.indirect.gather [hbm4b:s3+s10], $0x1, s16, s10, $0xb8;
	[tilespmem:$0x6100] =	vst v63  }
0x37: {  	_ =	swait.ge [sflag:s11], $0x80  }
0x38: {  	[sflag:s11] =	ssyncset.done $0x0  }
0x39: {  	[sflag:s11] =	ssyncadd.s32 $0xFFFFFF80  }
0x3a: {  	_ =	swait.ge [sflag:s11], $0x80  }
0x3b: {  	[sflag:s11] =	ssyncset.done $0x0  }
0x3c: {  	[sflag:s11] =	ssyncadd.s32 $0xFFFFFF80  }
0x3d: {  	_ =	swait.ge [sflag:s11], $0x80  }
0x3e: {  	[sflag:s11] =	ssyncset.done $0x0  }
0x3f: {  	[sflag:s11] =	ssyncadd.s32 $0xFFFFFF80  }
0x40: {  	_ =	swait.ge [sflag:s11], $0x80  }
0x41: {  	[sflag:s11] =	ssyncset.done $0x0  }
0x42: {  	[sflag:s11] =	ssyncadd.s32 $0xFFFFFF80  }
0x43: {  	_ =	swait.ge [sflag:s11], $0x80  }
0x44: {  	[sflag:s11] =	ssyncset.done $0x0  }
0x45: {  	[sflag:s11] =	ssyncadd.s32 $0xFFFFFF80  }
0x46: {  	_ =	swait.ge [sflag:s11], $0x80  }
0x47: {  	[sflag:s11] =	ssyncset.done $0x0  }
0x48: {  	[sflag:s11] =	ssyncadd.s32 $0xFFFFFF80  }
0x49: {  	_ =	swait.ge [sflag:s11], $0x80  }
0x4a: {  	[sflag:s11] =	ssyncset.done $0x0  }
0x4b: {  	[sflag:s11] =	ssyncadd.s32 $0xFFFFFF80  }
0x4c: {  	_ =	swait.ge [sflag:s11], $0x80  }
0x4d: {  	[sflag:s11] =	ssyncset.done $0x0  }
0x4e: {  	[sflag:s11] =	ssyncadd.s32 $0xFFFFFF80  }
0x4f: {  	_ =	swait.ge [sflag:s11], $0x80  }
0x50: {  	[sflag:s11] =	ssyncset.done $0x0  }
0x51: {  	[sflag:s11] =	ssyncadd.s32 $0xFFFFFF80  }
0x52: {  	_ =	swait.ge [sflag:s11], $0x80  }
0x53: {  	[sflag:s11] =	ssyncset.done $0x0  }
0x54: {  	[sflag:s11] =	ssyncadd.s32 $0xFFFFFF80  }
0x55: {  	_ =	swait.ge [sflag:s11], $0x80  }
0x56: {  	[sflag:s11] =	ssyncset.done $0x0  }
0x57: {  	[sflag:s11] =	ssyncadd.s32 $0xFFFFFF80  }
0x58: {  	_ =	swait.ge [sflag:s11], $0x80  }
0x59: {  	[sflag:s11] =	ssyncset.done $0x0  }
0x5a: {  	[sflag:s11] =	ssyncadd.s32 $0xFFFFFF80  }
0x5b: {  	_ =	swait.ge [sflag:s11], $0x80  }
0x5c: {  	[sflag:s11] =	ssyncset.done $0x0  }
0x5d: {  	[sflag:s11] =	ssyncadd.s32 $0xFFFFFF80  }
0x5e: {  	_ =	swait.ge [sflag:s11], $0x80  }
0x5f: {  	[sflag:s11] =	ssyncset.done $0x0  }
0x60: {  	[sflag:s11] =	ssyncadd.s32 $0xFFFFFF80  }
0x61: {  	_ =	swait.ge [sflag:s11], $0x80  }
0x62: {  	[sflag:s11] =	ssyncset.done $0x0  }
0x63: {  	[sflag:s11] =	ssyncadd.s32 $0xFFFFFF80  }
0x64: {  	_ =	swait.ge [sflag:s11], $0x80  }
0x65: {  	[sflag:s11] =	ssyncset.done $0x0  }
0x66: {  	[sflag:s11] =	ssyncadd.s32 $0xFFFFFF80  }
0x67: {  	_ =	swait.ge [sflag:s11], $0x80  }
0x68: {  	[sflag:s11] =	ssyncset.done $0x0  }
0x69: {  	[sflag:s11] =	ssyncadd.s32 $0xFFFFFF80  }
0x6a: {  	_ =	swait.ge [sflag:s11], $0x80  }
0x6b: {  	[sflag:s11] =	ssyncset.done $0x0  }
0x6c: {  	[sflag:s11] =	ssyncadd.s32 $0xFFFFFF80  }
0x6d: {  	_ =	swait.ge [sflag:s11], $0x80  }
0x6e: {  	[sflag:s11] =	ssyncset.done $0x0  }
0x6f: {  	[sflag:s11] =	ssyncadd.s32 $0xFFFFFF80  }
0x70: {  	_ =	swait.ge [sflag:s11], $0x80  }
0x71: {  	[sflag:s11] =	ssyncset.done $0x0  }
0x72: {  	[sflag:s11] =	ssyncadd.s32 $0xFFFFFF80  }
0x73: {  	_ =	swait.ge [sflag:s11], $0x80  }
0x74: {  	[sflag:s11] =	ssyncset.done $0x0  }
0x75: {  	[sflag:s11] =	ssyncadd.s32 $0xFFFFFF80  }
0x76: {  	_ =	swait.ge [sflag:s11], $0x80  }
0x77: {  	[sflag:s11] =	ssyncset.done $0x0  }
0x78: {  	[sflag:s11] =	ssyncadd.s32 $0xFFFFFF80  }
0x79: {  	_ =	swait.ge [sflag:s11], $0x80  }
0x7a: {  	[sflag:s11] =	ssyncset.done $0x0  }
0x7b: {  	[sflag:s11] =	ssyncadd.s32 $0xFFFFFF80  }
0x7c: {  	_ =	swait.ge [sflag:s11], $0x80  }
0x7d: {  	[sflag:s11] =	ssyncset.done $0x0  }
0x7e: {  	[sflag:s11] =	ssyncadd.s32 $0xFFFFFF80  }
0x7f: {  	_ =	swait.ge [sflag:s11], $0x80  }
0x80: {  	[sflag:s11] =	ssyncset.done $0x0  }
0x81: {  	[sflag:s11] =	ssyncadd.s32 $0xFFFFFF80  }
0x82: {  	_ =	swait.ge [sflag:s11], $0x80  }
0x83: {  	[sflag:s11] =	ssyncset.done $0x0  }
0x84: {  	[sflag:s11] =	ssyncadd.s32 $0xFFFFFF80  }
0x85: {  	_ =	swait.ge [sflag:s11], $0x80  }
0x86: {  	[sflag:s11] =	ssyncset.done $0x0  }
0x87: {  	[sflag:s11] =	ssyncadd.s32 $0xFFFFFF80  }
0x88: {  	_ =	swait.ge [sflag:s11], $0x80  }
0x89: {  	[sflag:s11] =	ssyncset.done $0x0  }
0x8a: {  	[sflag:s11] =	ssyncadd.s32 $0xFFFFFF80  }
0x8b: {  	_ =	swait.ge [sflag:s11], $0x80  }
0x8c: {  	[sflag:s11] =	ssyncset.done $0x0  }
0x8d: {  	[sflag:s11] =	ssyncadd.s32 $0xFFFFFF80  }
0x8e: {  	_ =	swait.ge [sflag:s11], $0x80  }
0x8f: {  	[sflag:s11] =	ssyncset.done $0x0  }
0x90: {  	[sflag:s11] =	ssyncadd.s32 $0xFFFFFF80  }
0x91: {  	_ =	swait.ge [sflag:s11], $0x80  }
0x92: {  	[sflag:s11] =	ssyncset.done $0x0  }
0x93: {  	[sflag:s11] =	ssyncadd.s32 $0xFFFFFF80  }
0x94: {  	_ =	swait.ge [sflag:s11], $0x80  }
0x95: {  	[sflag:s11] =	ssyncset.done $0x0  }
0x96: {  	s14 =	simm.s32 $0x10C0;
	[sflag:s11] =	ssyncadd.s32 $0xFFFFFF80  }
0x97: {  	v2 =	vld [tilespmem:s14+$0x20]  }
0x98: {  	v0 =	vld [tilespmem:s14+$0x30]  }
0x99: {  	v3 =	vld [tilespmem:s14+$0x0]  }
0x9a: {  	v1 =	vld [tilespmem:s14+$0x10]  }
0x9b: {  	v5 =	vld [tilespmem:s14+$0xFFFFFFE0]  }
0x9c: {  	v4 =	vld [tilespmem:s14+$0xFFFFFFF0]  }
0x9d: {  	v8 =	vld [tilespmem:s14+$0xFFFFFFC0]  }
0x9e: {  	s16 =	simm.s32 $0x0;
	v9 =	vld [tilespmem:s14+$0xFFFFFFD0]  }
0x9f: {  	v6 =	vimm.f32 $0.0e+00;
	s15 =	simm.s32 $0x800;
	v7 =	vimm.f32 $0.0e+00;
	v10 =	vld [tilespmem:s16+$0x2080]  }
.LBB2_6:
0xa0: {  	p0 =	sne.s32 s15, $0xF800;
	v11 =	vld [tilespmem:s16+$0x2090]  }
0xa1: {  	v12 =	vld [tilespmem:s16+$0x2100]  }
0xa2: {  	v13 =	vld [tilespmem:s16+$0x2110]  }
0xa3: {  	v14 =	vld [tilespmem:s16+$0x2180]  }
0xa4: {  	v15 =	vld [tilespmem:s16+$0x2190]  }
0xa5: {  	v8 =	vmul.f32 v8, v10;
	v9 =	vmul.f32 v9, v11;
	v10 =	vld [tilespmem:s16+$0x2200]  }
0xa6: {  	s14 =	sadd.s32 $0x80, s14;
	v5 =	vmul.f32 v5, v12;
	v11 =	vld [tilespmem:s16+$0x2210]  }
0xa7: {  	v6 =	vadd.f32 v8, v6;
	v12 =	vld [tilespmem:s14+$0x20];
	v7 =	vadd.f32 v9, v7;
	v4 =	vmul.f32 v4, v13  }
0xa8: {  	v9 =	vld [tilespmem:s14+$0x30];
	v8 =	vmul.f32 v3, v14  }
0xa9: {  	v6 =	vadd.f32 v5, v6;
	v3 =	vld [tilespmem:s14+$0x0];
	v4 =	vadd.f32 v4, v7;
	v7 =	vmul.f32 v1, v15  }
0xaa: {  	v1 =	vld [tilespmem:s14+$0x10];
	v10 =	vmul.f32 v2, v10  }
.Ltmp2:
0xab: {  	v6 =	vadd.f32 v8, v6;
	v5 =	vld [tilespmem:s14+$0xFFFFFFE0];
	v7 =	vadd.f32 v7, v4;
	v11 =	vmul.f32 v0, v11;
	(pc) =	sbr.rel @p0 .LBB2_6-.Ltmp2, $4  }
0xac: {  	v4 =	vld [tilespmem:s14+$0xFFFFFFF0];
	v2 =	vmov v12  }
0xad: {  	v6 =	vadd.f32 v10, v6;
	v8 =	vld [tilespmem:s14+$0xFFFFFFC0];
	v7 =	vadd.f32 v11, v7;
	v0 =	vmov v9  }
0xae: {  	s16 =	sshra.s32 s15, $0x2;
	v9 =	vld [tilespmem:s14+$0xFFFFFFD0]  }
0xaf: {  	s15 =	sadd.s32 $0x800, s15;
	v10 =	vld [tilespmem:s16+$0x2080]  }
0xb0: {  	v11 =	vld [tilespmem:s16+$0x2090]  }
0xb1: {  	v12 =	vld [tilespmem:s16+$0x2100]  }
0xb2: {  	v13 =	vld [tilespmem:s16+$0x2110]  }
0xb3: {  	v14 =	vld [tilespmem:s16+$0x2180]  }
0xb4: {  	v15 =	vld [tilespmem:s16+$0x2190];
	v8 =	vmul.f32 v8, v10  }
0xb5: {  	v62 =	vld [tilespmem:s16+$0x2200];
	v9 =	vmul.f32 v9, v11  }
0xb6: {  	v63 =	vld [tilespmem:s16+$0x2210];
	v5 =	vmul.f32 v5, v12;
	v6 =	vadd.f32 v8, v6  }
0xb7: {  	v4 =	vmul.f32 v4, v13;
	v7 =	vadd.f32 v9, v7  }
0xb8: {  	v3 =	vmul.f32 v3, v14;
	v5 =	vadd.f32 v5, v6  }
0xb9: {  	v1 =	vmul.f32 v1, v15;
	v4 =	vadd.f32 v4, v7  }
0xba: {  	v2 =	vmul.f32 v2, v62;
	v3 =	vadd.f32 v3, v5  }
0xbb: {  	v0 =	vmul.f32 v0, v63;
	v1 =	vadd.f32 v1, v4  }
0xbc: {  	v2 =	vadd.f32 v2, v3  }
0xbd: {  	s13 =	sadd.s32 $0x1, s13;
	v0 =	vadd.f32 v0, v1  }
0xbe: {  	p0 =	sne.s32 s13, s7;
	[tilespmem:$0x6080] =	vst v2  }
.Ltmp3:
0xbf: {  	[tilespmem:$0x6090] =	vst v0;
	(pc) =	sbr.rel @p0 .LBB2_1-.Ltmp3, $4  }
0xc0: {  	[hbm4b:s6+s2] =	stream.linear.scatter [tilespmem:s12], [sflag:$0x2], $0x20, $0x38;
	[tilespmem:$0x6100] =	vst v63  }
0xc1: {  	_ =	swait.ge [sflag:s8], $0x20  }
0xc2: {  	[sflag:s8] =	ssyncset.done $0x0  }
0xc3: {  	[sflag:s8] =	ssyncadd.s32 $0xFFFFFFE0  }
0xc4: {  	_ =	sfence.sel $0x180000  }
0xc5: {  	[bflag:$0x0] =	sbarrier.arrive $0xFFFF  }
0xc6: {  	p0 =	sne.s32 s1, $0x0;
	_ =	strace $0x90000047  }
0xc7: {  	s0 =	sadd.s32 @!p0 $0x100000, s0;
	[bflag:$0x2] =	sbarrier.arrive $0xFFFF  }
0xc8: {  	[sflag:s0] =	ssyncadd.tile.s32 @!p0 $0x1;
	_ =	shalt  }
.Lfunc_end2:
_tile_overlayer_lowered:
.L_overlay_start_2:
0xc9: {  	(tag) =	ssettag $0x2  }
0xca: {  	s0 =	rddreg [dreg:$0x0];
	s2 =	stileid.u32  }
0xcb: {  	s1 =	rddreg [dreg:$0x1];
	p0 =	sne.s32 s2, $0x0  }
0xcc: {  	s3 =	rddreg [dreg:$0x2];
	[bflag:$0x3] =	sbarrier.arrive $0xFFFF;
	s2 =	simm.s32 @!p0 $0x1C02  }
0xcd: {  	[timem:s3], [sflag:s2] =	dma.local @!p0 [hbm:s0], s1  }
0xce: {  	s0 =	simm.s32 @!p0 $0x2  }
0xcf: {  	_ =	swait.ge @!p0 [sflag:s0], s1  }
0xd0: {  	s1 =	ssub.s32 @!p0 $0x0, s1;
	[sflag:s0] =	ssyncset.done @!p0 $0x0  }
0xd1: {  	[sflag:s0] =	ssyncadd.s32 @!p0 s1  }
0xd2: {  	[bflag:$0x3] =	sbarrier.arrive $0xFFFF  }
0xd3: {  	_ =	shalt  }

</sc_bundles>
